<compile_context>
chip_gen: v7x
topology: tpu7x:2x2x1
jax: 0.10.2.dev20260603
libtpu: 0.0.44.dev20260713+nightly
codegen_flags: <defaults>
</compile_context>

<pallas_src>
import functools

import jax
import jax.numpy as jnp
from jax import lax
from jax.experimental import pallas as pl
from jax.experimental.pallas import tpu as pltpu
from jax.experimental.pallas import tpu_sc as plsc

_D = 1024
_B = 4 * 8192
_NC = 2
_NS = 16
_NW = _NC * _NS
_BPW = _B // _NW
_CH = 8
_NCH = _BPW // _CH
_NBUF = 4


def _make_gather():
    mesh = plsc.VectorSubcoreMesh(core_axis_name="c", subcore_axis_name="s")

    @functools.partial(
        pl.kernel,
        mesh=mesh,
        out_type=jax.ShapeDtypeStruct((_B, _D), jnp.float32),
        scratch_types=[
            pltpu.VMEM((_NCH, _CH), jnp.int32),
            pltpu.VMEM_SHARED((_NS, _NBUF, _CH, _D), jnp.float32),
            *([pltpu.VMEM((_CH, _D), jnp.float32)] * _NBUF),
            *([pltpu.SemaphoreType.DMA] * (3 * _NBUF)),
        ],
    )
    def gather(idx_hbm, table_hbm, out_hbm, idx_v, shared, *bufs_and_sems):
        bufs = bufs_and_sems[:_NBUF]
        gsem = bufs_and_sems[_NBUF:2 * _NBUF]
        csem = bufs_and_sems[2 * _NBUF:3 * _NBUF]
        dsem = bufs_and_sems[3 * _NBUF:]
        sid = lax.axis_index("s")
        wid = sid * _NC + lax.axis_index("c")
        base = wid * _BPW

        def gather_chunk(c, b):
            return pltpu.make_async_copy(
                table_hbm.at[idx_v.at[c]], bufs[b], gsem[b])

        def cross_chunk(b):
            return pltpu.make_async_copy(
                bufs[b], shared.at[sid, b], csem[b])

        def drain_chunk(c, b):
            return pltpu.make_async_copy(
                shared.at[sid, b],
                out_hbm.at[pl.ds(base + c * _CH, _CH)], dsem[b])

        pltpu.sync_copy(idx_hbm.at[wid], idx_v)
        gather_chunk(0, 0).start()
        gather_chunk(1, 1).start()

        def body(g, carry):
            for b in range(_NBUF):
                c = _NBUF * g + b
                bn = (b + 2) % _NBUF
                n = c + 2
                gather_chunk(c, b).wait()

                @pl.when(c >= _NBUF)
                def _():
                    drain_chunk(c - _NBUF, b).wait()

                cross_chunk(b).start()

                @pl.when(c >= 2)
                def _():
                    cross_chunk(bn).wait()
                    drain_chunk(c - 2, bn).start()

                @pl.when(n < _NCH)
                def _():
                    gather_chunk(n, bn).start()
            return carry

        lax.fori_loop(0, _NCH // _NBUF, body, 0)
        for c in (_NCH - 2, _NCH - 1):
            cross_chunk(c % _NBUF).wait()
            drain_chunk(c, c % _NBUF).start()
        for c in range(_NCH - _NBUF, _NCH):
            drain_chunk(c, c % _NBUF).wait()

    return gather


_gather = _make_gather()


@jax.jit
def kernel(inputs, table):
    idx = inputs.reshape(_NW, _NCH, _CH)
    out = _gather(idx, table)
    return out.reshape(inputs.shape + (_D,))

# --- scband reference (transcript-rebuilt; emitter-appended) ---
"""Pipeline reference for scband-sinusoidal-position-embedding-12128987644496 (READ-ONLY COPY).

The authoritative reference and input builder live on the scoring server;
editing this copy changes nothing except your own understanding.
"""

import jax, jax.numpy as jnp
import numpy as np

OUTPUT_SIZE = 1024
MAX_SEQUENCE_LENGTH = 8192


def _build_sinusoidal_table(max_len: int, dim: int) -> jnp.ndarray:
    pos = np.arange(max_len, dtype=np.float64)[:, None]
    j = np.arange(dim, dtype=np.float64)[None, :]
    angles = pos / np.power(10000.0, 2.0 * (j // 2) / dim)
    table = np.zeros((max_len, dim), dtype=np.float64)
    table[:, ::2] = np.sin(angles[:, ::2])
    table[:, 1::2] = np.cos(angles[:, 1::2])
    return jnp.asarray(table, dtype=jnp.float32)


def setup_inputs(seed: int = 0) -> dict:
    key = jax.random.key(seed)
    k_idx = jax.random.fold_in(key, 1)
    inputs = jax.random.randint(k_idx, (4, 8192), 0, MAX_SEQUENCE_LENGTH, dtype=jnp.int64 if jax.config.read('jax_enable_x64') else jnp.int32)
    inputs = inputs.astype(jnp.int32)
    table = _build_sinusoidal_table(MAX_SEQUENCE_LENGTH, OUTPUT_SIZE)
    return {"inputs": inputs, "table": table}


def reference(inputs, table):
    # Embedding lookup: gather rows of the sinusoidal table by position index.
    return jnp.take(table, inputs, axis=0)

if __name__ == "__main__":
    import jax
    _d = setup_inputs()
    print(jax.jit(kernel)(*tuple(_d.values())))

</pallas_src>

<mosaic_0001>
#map = affine_map<(d0, d1) -> (0, 0, 0)>
#map1 = affine_map<(d0, d1) -> (0, 0)>
module attributes {stable_mosaic.version = 14 : i64} {
  func.func @gather(%arg0: i32, %arg1: i32, %arg2: memref<32x128x8xi32, #tpu.memory_space<hbm>>, %arg3: memref<8192x1024xf32, #tpu.memory_space<hbm>>, %arg4: memref<32768x1024xf32, #tpu.memory_space<hbm>>, %arg5: memref<128x8xi32, #tpu.memory_space<vmem>>, %arg6: memref<16x4x8x1024xf32, #tpu.memory_space<vmem_shared>>, %arg7: memref<8x1024xf32, #tpu.memory_space<vmem>>, %arg8: memref<8x1024xf32, #tpu.memory_space<vmem>>, %arg9: memref<8x1024xf32, #tpu.memory_space<vmem>>, %arg10: memref<8x1024xf32, #tpu.memory_space<vmem>>, %arg11: memref<!tpu.dma_semaphore, #tpu.memory_space<semaphore_mem>>, %arg12: memref<!tpu.dma_semaphore, #tpu.memory_space<semaphore_mem>>, %arg13: memref<!tpu.dma_semaphore, #tpu.memory_space<semaphore_mem>>, %arg14: memref<!tpu.dma_semaphore, #tpu.memory_space<semaphore_mem>>, %arg15: memref<!tpu.dma_semaphore, #tpu.memory_space<semaphore_mem>>, %arg16: memref<!tpu.dma_semaphore, #tpu.memory_space<semaphore_mem>>, %arg17: memref<!tpu.dma_semaphore, #tpu.memory_space<semaphore_mem>>, %arg18: memref<!tpu.dma_semaphore, #tpu.memory_space<semaphore_mem>>, %arg19: memref<!tpu.dma_semaphore, #tpu.memory_space<semaphore_mem>>, %arg20: memref<!tpu.dma_semaphore, #tpu.memory_space<semaphore_mem>>, %arg21: memref<!tpu.dma_semaphore, #tpu.memory_space<semaphore_mem>>, %arg22: memref<!tpu.dma_semaphore, #tpu.memory_space<semaphore_mem>>) attributes {dimension_semantics = [#tpu.dimension_semantics<core_parallel>, #tpu.dimension_semantics<subcore_parallel>], iteration_bounds = array<i64: 2, 16>, scalar_prefetch = 0 : i64, scratch_operands = 18 : i64, tpu.core_type = #tpu.core_type<sc_vector_subcore>, window_params = [{transform_indices = #map}, {transform_indices = #map1}, {transform_indices = #map1}]} {
    %mul3A = arith.constant 2 : i32
    %mul3A_0 = arith.muli %arg1, %mul3A : i32
    %add3A = arith.addi %mul3A_0, %arg0 : i32
    %mul3A_1 = arith.constant 1024 : i32
    %mul3A_2 = arith.muli %add3A, %mul3A_1 : i32
    "tpu.region"() ({
      %run_scoped3A = tpu.sem_alloc : memref<!tpu.dma_semaphore, #tpu.memory_space<semaphore_mem>>
      %dma_start3A_92 = arith.constant 0 : i32
      %dma_start3A_93 = arith.constant 0 : i32
      %dma_start3A_94 = tpu.memref_slice %arg2[%add3A, %dma_start3A_92, %dma_start3A_93] : memref<32x128x8xi32, #tpu.memory_space<hbm>> -> memref<1x128x8xi32, #tpu.memory_space<hbm>>
      %dma_start3A_95 = tpu.memref_squeeze %dma_start3A_94 : memref<1x128x8xi32, #tpu.memory_space<hbm>> -> memref<128x8xi32, #tpu.memory_space<hbm>>
      %dma_start3A_96 = arith.constant 0 : i32
      %dma_start3A_97 = arith.constant 0 : i32
      %dma_start3A_98 = tpu.memref_slice %arg2[%add3A, %dma_start3A_96, %dma_start3A_97] : memref<32x128x8xi32, #tpu.memory_space<hbm>> -> memref<1x128x8xi32, #tpu.memory_space<hbm>>
      %dma_start3A_99 = tpu.memref_squeeze %dma_start3A_98 : memref<1x128x8xi32, #tpu.memory_space<hbm>> -> memref<128x8xi32, #tpu.memory_space<hbm>>
      tpu.enqueue_dma source(%dma_start3A_99 : memref<128x8xi32, #tpu.memory_space<hbm>>) target(%arg5 : memref<128x8xi32, #tpu.memory_space<vmem>>) target_semaphore(%run_scoped3A : memref<!tpu.dma_semaphore, #tpu.memory_space<semaphore_mem>>)
      %dma_wait3A_100 = arith.constant 0 : i32
      %dma_wait3A_101 = arith.constant 0 : i32
      %dma_wait3A_102 = tpu.memref_slice %arg2[%add3A, %dma_wait3A_100, %dma_wait3A_101] : memref<32x128x8xi32, #tpu.memory_space<hbm>> -> memref<1x128x8xi32, #tpu.memory_space<hbm>>
      %dma_wait3A_103 = tpu.memref_squeeze %dma_wait3A_102 : memref<1x128x8xi32, #tpu.memory_space<hbm>> -> memref<128x8xi32, #tpu.memory_space<hbm>>
      %dma_wait3A_104 = arith.constant 0 : i32
      %dma_wait3A_105 = arith.constant 0 : i32
      %dma_wait3A_106 = tpu.memref_slice %arg2[%add3A, %dma_wait3A_104, %dma_wait3A_105] : memref<32x128x8xi32, #tpu.memory_space<hbm>> -> memref<1x128x8xi32, #tpu.memory_space<hbm>>
      %dma_wait3A_107 = tpu.memref_squeeze %dma_wait3A_106 : memref<1x128x8xi32, #tpu.memory_space<hbm>> -> memref<128x8xi32, #tpu.memory_space<hbm>>
      tpu.wait_dma2 semaphore(%run_scoped3A : memref<!tpu.dma_semaphore, #tpu.memory_space<semaphore_mem>>) src(%dma_wait3A_107 : memref<128x8xi32, #tpu.memory_space<hbm>>) dst(%arg5 : memref<128x8xi32, #tpu.memory_space<vmem>>)
      tpu.yield
    }) : () -> ()
    %dma_start3A = arith.constant 0 : i32
    %dma_start3A_3 = arith.constant 0 : i32
    %dma_start3A_4 = tpu.memref_slice %arg5[%dma_start3A, %dma_start3A_3] : memref<128x8xi32, #tpu.memory_space<vmem>> -> memref<1x8xi32, #tpu.memory_space<vmem>>
    %dma_start3A_5 = tpu.memref_squeeze %dma_start3A_4 : memref<1x8xi32, #tpu.memory_space<vmem>> -> memref<8xi32, #tpu.memory_space<vmem>>
    %dma_start3A_6 = arith.constant 0 : i32
    %dma_start3A_7 = arith.constant 0 : i32
    %dma_start3A_8 = tpu.memref_slice %arg3[%dma_start3A_6, %dma_start3A_7] : memref<8192x1024xf32, #tpu.memory_space<hbm>> -> memref<8192x1024xf32, #tpu.memory_space<hbm>>
    tpu.enqueue_indirect_dma source(%dma_start3A_8 : memref<8192x1024xf32, #tpu.memory_space<hbm>>) target(%arg7 : memref<8x1024xf32, #tpu.memory_space<vmem>>) offsets(%dma_start3A_5 : memref<8xi32, #tpu.memory_space<vmem>>) semaphore(%arg11 : memref<!tpu.dma_semaphore, #tpu.memory_space<semaphore_mem>>)
    %dma_start3A_9 = arith.constant 1 : i32
    %dma_start3A_10 = arith.constant 0 : i32
    %dma_start3A_11 = tpu.memref_slice %arg5[%dma_start3A_9, %dma_start3A_10] : memref<128x8xi32, #tpu.memory_space<vmem>> -> memref<1x8xi32, #tpu.memory_space<vmem>>
    %dma_start3A_12 = tpu.memref_squeeze %dma_start3A_11 : memref<1x8xi32, #tpu.memory_space<vmem>> -> memref<8xi32, #tpu.memory_space<vmem>>
    %dma_start3A_13 = arith.constant 0 : i32
    %dma_start3A_14 = arith.constant 0 : i32
    %dma_start3A_15 = tpu.memref_slice %arg3[%dma_start3A_13, %dma_start3A_14] : memref<8192x1024xf32, #tpu.memory_space<hbm>> -> memref<8192x1024xf32, #tpu.memory_space<hbm>>
    tpu.enqueue_indirect_dma source(%dma_start3A_15 : memref<8192x1024xf32, #tpu.memory_space<hbm>>) target(%arg8 : memref<8x1024xf32, #tpu.memory_space<vmem>>) offsets(%dma_start3A_12 : memref<8xi32, #tpu.memory_space<vmem>>) semaphore(%arg12 : memref<!tpu.dma_semaphore, #tpu.memory_space<semaphore_mem>>)
    %scan3A = arith.constant 0 : i32
    %scan3A_16 = arith.constant 0 : i32
    %scan3A_17 = arith.constant 32 : i32
    %scan3A_18 = arith.addi %scan3A_16, %scan3A_17 : i32
    %scan3A_19 = arith.constant 1 : i32
    scf.for %scan3A_92 = %scan3A_16 to %scan3A_18 step %scan3A_19  : i32 {
      %mul3A_93 = arith.constant 4 : i32
      %mul3A_94 = arith.muli %mul3A_93, %scan3A_92 : i32
      %add3A_95 = arith.constant 0 : i32
      %add3A_96 = arith.addi %mul3A_94, %add3A_95 : i32
      %add3A_97 = arith.constant 2 : i32
      %add3A_98 = arith.addi %add3A_96, %add3A_97 : i32
      %dma_wait3A_99 = arith.constant 0 : i32
      %dma_wait3A_100 = tpu.memref_slice %arg5[%add3A_96, %dma_wait3A_99] : memref<128x8xi32, #tpu.memory_space<vmem>> -> memref<1x8xi32, #tpu.memory_space<vmem>>
      %dma_wait3A_101 = tpu.memref_squeeze %dma_wait3A_100 : memref<1x8xi32, #tpu.memory_space<vmem>> -> memref<8xi32, #tpu.memory_space<vmem>>
      %dma_wait3A_102 = arith.constant 0 : i32
      %dma_wait3A_103 = arith.constant 0 : i32
      %dma_wait3A_104 = tpu.memref_slice %arg3[%dma_wait3A_102, %dma_wait3A_103] : memref<8192x1024xf32, #tpu.memory_space<hbm>> -> memref<8192x1024xf32, #tpu.memory_space<hbm>>
      tpu.wait_indirect_dma semaphore(%arg11 : memref<!tpu.dma_semaphore, #tpu.memory_space<semaphore_mem>>) src(%dma_wait3A_104 : memref<8192x1024xf32, #tpu.memory_space<hbm>>) dst(%arg7 : memref<8x1024xf32, #tpu.memory_space<vmem>>)
      %ge3A = arith.constant 4 : i32
      %ge3A_105 = arith.cmpi sge, %add3A_96, %ge3A : i32
      %convert_element_type3A = arith.extui %ge3A_105 : i1 to i32
      %cond3A = arith.constant 0 : i32
      %cond3A_106 = arith.cmpi ne, %convert_element_type3A, %cond3A : i32
      scf.if %cond3A_106 {
        %sub3A = arith.constant 4 : i32
        %sub3A_233 = arith.subi %add3A_96, %sub3A : i32
        %mul3A_234 = arith.constant 8 : i32
        %mul3A_235 = arith.muli %sub3A_233, %mul3A_234 : i32
        %add3A_236 = arith.addi %mul3A_2, %mul3A_235 : i32
        %dma_wait3A_237 = arith.constant 0 : i32
        %dma_wait3A_238 = arith.constant 0 : i32
        %dma_wait3A_239 = tpu.memref_slice %arg4[%add3A_236, %dma_wait3A_238] : memref<32768x1024xf32, #tpu.memory_space<hbm>> -> memref<8x1024xf32, #tpu.memory_space<hbm>>
        %dma_wait3A_240 = arith.constant 0 : i32
        %dma_wait3A_241 = arith.constant 0 : i32
        %dma_wait3A_242 = tpu.memref_slice %arg6[%arg1, %dma_wait3A_237, %dma_wait3A_240, %dma_wait3A_241] : memref<16x4x8x1024xf32, #tpu.memory_space<vmem_shared>> -> memref<1x1x8x1024xf32, #tpu.memory_space<vmem_shared>>
        %dma_wait3A_243 = tpu.memref_squeeze %dma_wait3A_242 : memref<1x1x8x1024xf32, #tpu.memory_space<vmem_shared>> -> memref<8x1024xf32, #tpu.memory_space<vmem_shared>>
        tpu.wait_dma2 semaphore(%arg19 : memref<!tpu.dma_semaphore, #tpu.memory_space<semaphore_mem>>) src(%dma_wait3A_243 : memref<8x1024xf32, #tpu.memory_space<vmem_shared>>) dst(%dma_wait3A_239 : memref<8x1024xf32, #tpu.memory_space<hbm>>)
      } else {
      }
      %dma_start3A_107 = arith.constant 0 : i32
      %dma_start3A_108 = arith.constant 0 : i32
      %dma_start3A_109 = arith.constant 0 : i32
      %dma_start3A_110 = tpu.memref_slice %arg6[%arg1, %dma_start3A_107, %dma_start3A_108, %dma_start3A_109] : memref<16x4x8x1024xf32, #tpu.memory_space<vmem_shared>> -> memref<1x1x8x1024xf32, #tpu.memory_space<vmem_shared>>
      %dma_start3A_111 = tpu.memref_squeeze %dma_start3A_110 : memref<1x1x8x1024xf32, #tpu.memory_space<vmem_shared>> -> memref<8x1024xf32, #tpu.memory_space<vmem_shared>>
      %dma_start3A_112 = arith.constant 0 : i32
      %dma_start3A_113 = arith.constant 0 : i32
      %dma_start3A_114 = tpu.memref_slice %arg6[%arg1, %dma_start3A_107, %dma_start3A_112, %dma_start3A_113] : memref<16x4x8x1024xf32, #tpu.memory_space<vmem_shared>> -> memref<1x1x8x1024xf32, #tpu.memory_space<vmem_shared>>
      %dma_start3A_115 = tpu.memref_squeeze %dma_start3A_114 : memref<1x1x8x1024xf32, #tpu.memory_space<vmem_shared>> -> memref<8x1024xf32, #tpu.memory_space<vmem_shared>>
      tpu.enqueue_dma source(%arg7 : memref<8x1024xf32, #tpu.memory_space<vmem>>) target(%dma_start3A_115 : memref<8x1024xf32, #tpu.memory_space<vmem_shared>>) target_semaphore(%arg15 : memref<!tpu.dma_semaphore, #tpu.memory_space<semaphore_mem>>)
      %ge3A_116 = arith.constant 2 : i32
      %ge3A_117 = arith.cmpi sge, %add3A_96, %ge3A_116 : i32
      %convert_element_type3A_118 = arith.extui %ge3A_117 : i1 to i32
      %cond3A_119 = arith.constant 0 : i32
      %cond3A_120 = arith.cmpi ne, %convert_element_type3A_118, %cond3A_119 : i32
      scf.if %cond3A_120 {
        %dma_wait3A_233 = arith.constant 2 : i32
        %dma_wait3A_234 = arith.constant 0 : i32
        %dma_wait3A_235 = arith.constant 0 : i32
        %dma_wait3A_236 = tpu.memref_slice %arg6[%arg1, %dma_wait3A_233, %dma_wait3A_234, %dma_wait3A_235] : memref<16x4x8x1024xf32, #tpu.memory_space<vmem_shared>> -> memref<1x1x8x1024xf32, #tpu.memory_space<vmem_shared>>
        %dma_wait3A_237 = tpu.memref_squeeze %dma_wait3A_236 : memref<1x1x8x1024xf32, #tpu.memory_space<vmem_shared>> -> memref<8x1024xf32, #tpu.memory_space<vmem_shared>>
        %dma_wait3A_238 = arith.constant 0 : i32
        %dma_wait3A_239 = arith.constant 0 : i32
        %dma_wait3A_240 = tpu.memref_slice %arg6[%arg1, %dma_wait3A_233, %dma_wait3A_238, %dma_wait3A_239] : memref<16x4x8x1024xf32, #tpu.memory_space<vmem_shared>> -> memref<1x1x8x1024xf32, #tpu.memory_space<vmem_shared>>
        %dma_wait3A_241 = tpu.memref_squeeze %dma_wait3A_240 : memref<1x1x8x1024xf32, #tpu.memory_space<vmem_shared>> -> memref<8x1024xf32, #tpu.memory_space<vmem_shared>>
        tpu.wait_dma2 semaphore(%arg17 : memref<!tpu.dma_semaphore, #tpu.memory_space<semaphore_mem>>) src(%arg9 : memref<8x1024xf32, #tpu.memory_space<vmem>>) dst(%dma_wait3A_241 : memref<8x1024xf32, #tpu.memory_space<vmem_shared>>)
        %sub3A = arith.constant 2 : i32
        %sub3A_242 = arith.subi %add3A_96, %sub3A : i32
        %mul3A_243 = arith.constant 8 : i32
        %mul3A_244 = arith.muli %sub3A_242, %mul3A_243 : i32
        %add3A_245 = arith.addi %mul3A_2, %mul3A_244 : i32
        %dma_start3A_246 = arith.constant 2 : i32
        %dma_start3A_247 = arith.constant 0 : i32
        %dma_start3A_248 = tpu.memref_slice %arg4[%add3A_245, %dma_start3A_247] : memref<32768x1024xf32, #tpu.memory_space<hbm>> -> memref<8x1024xf32, #tpu.memory_space<hbm>>
        %dma_start3A_249 = arith.constant 0 : i32
        %dma_start3A_250 = arith.constant 0 : i32
        %dma_start3A_251 = tpu.memref_slice %arg6[%arg1, %dma_start3A_246, %dma_start3A_249, %dma_start3A_250] : memref<16x4x8x1024xf32, #tpu.memory_space<vmem_shared>> -> memref<1x1x8x1024xf32, #tpu.memory_space<vmem_shared>>
        %dma_start3A_252 = tpu.memref_squeeze %dma_start3A_251 : memref<1x1x8x1024xf32, #tpu.memory_space<vmem_shared>> -> memref<8x1024xf32, #tpu.memory_space<vmem_shared>>
        tpu.enqueue_dma source(%dma_start3A_252 : memref<8x1024xf32, #tpu.memory_space<vmem_shared>>) target(%dma_start3A_248 : memref<8x1024xf32, #tpu.memory_space<hbm>>) target_semaphore(%arg21 : memref<!tpu.dma_semaphore, #tpu.memory_space<semaphore_mem>>)
      } else {
      }
      %lt3A = arith.constant 128 : i32
      %lt3A_121 = arith.cmpi slt, %add3A_98, %lt3A : i32
      %convert_element_type3A_122 = arith.extui %lt3A_121 : i1 to i32
      %cond3A_123 = arith.constant 0 : i32
      %cond3A_124 = arith.cmpi ne, %convert_element_type3A_122, %cond3A_123 : i32
      scf.if %cond3A_124 {
        %dma_start3A_233 = arith.constant 0 : i32
        %dma_start3A_234 = tpu.memref_slice %arg5[%add3A_98, %dma_start3A_233] : memref<128x8xi32, #tpu.memory_space<vmem>> -> memref<1x8xi32, #tpu.memory_space<vmem>>
        %dma_start3A_235 = tpu.memref_squeeze %dma_start3A_234 : memref<1x8xi32, #tpu.memory_space<vmem>> -> memref<8xi32, #tpu.memory_space<vmem>>
        %dma_start3A_236 = arith.constant 0 : i32
        %dma_start3A_237 = arith.constant 0 : i32
        %dma_start3A_238 = tpu.memref_slice %arg3[%dma_start3A_236, %dma_start3A_237] : memref<8192x1024xf32, #tpu.memory_space<hbm>> -> memref<8192x1024xf32, #tpu.memory_space<hbm>>
        tpu.enqueue_indirect_dma source(%dma_start3A_238 : memref<8192x1024xf32, #tpu.memory_space<hbm>>) target(%arg9 : memref<8x1024xf32, #tpu.memory_space<vmem>>) offsets(%dma_start3A_235 : memref<8xi32, #tpu.memory_space<vmem>>) semaphore(%arg13 : memref<!tpu.dma_semaphore, #tpu.memory_space<semaphore_mem>>)
      } else {
      }
      %mul3A_125 = arith.constant 4 : i32
      %mul3A_126 = arith.muli %mul3A_125, %scan3A_92 : i32
      %add3A_127 = arith.constant 1 : i32
      %add3A_128 = arith.addi %mul3A_126, %add3A_127 : i32
      %add3A_129 = arith.constant 2 : i32
      %add3A_130 = arith.addi %add3A_128, %add3A_129 : i32
      %dma_wait3A_131 = arith.constant 0 : i32
      %dma_wait3A_132 = tpu.memref_slice %arg5[%add3A_128, %dma_wait3A_131] : memref<128x8xi32, #tpu.memory_space<vmem>> -> memref<1x8xi32, #tpu.memory_space<vmem>>
      %dma_wait3A_133 = tpu.memref_squeeze %dma_wait3A_132 : memref<1x8xi32, #tpu.memory_space<vmem>> -> memref<8xi32, #tpu.memory_space<vmem>>
      %dma_wait3A_134 = arith.constant 0 : i32
      %dma_wait3A_135 = arith.constant 0 : i32
      %dma_wait3A_136 = tpu.memref_slice %arg3[%dma_wait3A_134, %dma_wait3A_135] : memref<8192x1024xf32, #tpu.memory_space<hbm>> -> memref<8192x1024xf32, #tpu.memory_space<hbm>>
      tpu.wait_indirect_dma semaphore(%arg12 : memref<!tpu.dma_semaphore, #tpu.memory_space<semaphore_mem>>) src(%dma_wait3A_136 : memref<8192x1024xf32, #tpu.memory_space<hbm>>) dst(%arg8 : memref<8x1024xf32, #tpu.memory_space<vmem>>)
      %ge3A_137 = arith.constant 4 : i32
      %ge3A_138 = arith.cmpi sge, %add3A_128, %ge3A_137 : i32
      %convert_element_type3A_139 = arith.extui %ge3A_138 : i1 to i32
      %cond3A_140 = arith.constant 0 : i32
      %cond3A_141 = arith.cmpi ne, %convert_element_type3A_139, %cond3A_140 : i32
      scf.if %cond3A_141 {
        %sub3A = arith.constant 4 : i32
        %sub3A_233 = arith.subi %add3A_128, %sub3A : i32
        %mul3A_234 = arith.constant 8 : i32
        %mul3A_235 = arith.muli %sub3A_233, %mul3A_234 : i32
        %add3A_236 = arith.addi %mul3A_2, %mul3A_235 : i32
        %dma_wait3A_237 = arith.constant 1 : i32
        %dma_wait3A_238 = arith.constant 0 : i32
        %dma_wait3A_239 = tpu.memref_slice %arg4[%add3A_236, %dma_wait3A_238] : memref<32768x1024xf32, #tpu.memory_space<hbm>> -> memref<8x1024xf32, #tpu.memory_space<hbm>>
        %dma_wait3A_240 = arith.constant 0 : i32
        %dma_wait3A_241 = arith.constant 0 : i32
        %dma_wait3A_242 = tpu.memref_slice %arg6[%arg1, %dma_wait3A_237, %dma_wait3A_240, %dma_wait3A_241] : memref<16x4x8x1024xf32, #tpu.memory_space<vmem_shared>> -> memref<1x1x8x1024xf32, #tpu.memory_space<vmem_shared>>
        %dma_wait3A_243 = tpu.memref_squeeze %dma_wait3A_242 : memref<1x1x8x1024xf32, #tpu.memory_space<vmem_shared>> -> memref<8x1024xf32, #tpu.memory_space<vmem_shared>>
        tpu.wait_dma2 semaphore(%arg20 : memref<!tpu.dma_semaphore, #tpu.memory_space<semaphore_mem>>) src(%dma_wait3A_243 : memref<8x1024xf32, #tpu.memory_space<vmem_shared>>) dst(%dma_wait3A_239 : memref<8x1024xf32, #tpu.memory_space<hbm>>)
      } else {
      }
      %dma_start3A_142 = arith.constant 1 : i32
      %dma_start3A_143 = arith.constant 0 : i32
      %dma_start3A_144 = arith.constant 0 : i32
      %dma_start3A_145 = tpu.memref_slice %arg6[%arg1, %dma_start3A_142, %dma_start3A_143, %dma_start3A_144] : memref<16x4x8x1024xf32, #tpu.memory_space<vmem_shared>> -> memref<1x1x8x1024xf32, #tpu.memory_space<vmem_shared>>
      %dma_start3A_146 = tpu.memref_squeeze %dma_start3A_145 : memref<1x1x8x1024xf32, #tpu.memory_space<vmem_shared>> -> memref<8x1024xf32, #tpu.memory_space<vmem_shared>>
      %dma_start3A_147 = arith.constant 0 : i32
      %dma_start3A_148 = arith.constant 0 : i32
      %dma_start3A_149 = tpu.memref_slice %arg6[%arg1, %dma_start3A_142, %dma_start3A_147, %dma_start3A_148] : memref<16x4x8x1024xf32, #tpu.memory_space<vmem_shared>> -> memref<1x1x8x1024xf32, #tpu.memory_space<vmem_shared>>
      %dma_start3A_150 = tpu.memref_squeeze %dma_start3A_149 : memref<1x1x8x1024xf32, #tpu.memory_space<vmem_shared>> -> memref<8x1024xf32, #tpu.memory_space<vmem_shared>>
      tpu.enqueue_dma source(%arg8 : memref<8x1024xf32, #tpu.memory_space<vmem>>) target(%dma_start3A_150 : memref<8x1024xf32, #tpu.memory_space<vmem_shared>>) target_semaphore(%arg16 : memref<!tpu.dma_semaphore, #tpu.memory_space<semaphore_mem>>)
      %ge3A_151 = arith.constant 2 : i32
      %ge3A_152 = arith.cmpi sge, %add3A_128, %ge3A_151 : i32
      %convert_element_type3A_153 = arith.extui %ge3A_152 : i1 to i32
      %cond3A_154 = arith.constant 0 : i32
      %cond3A_155 = arith.cmpi ne, %convert_element_type3A_153, %cond3A_154 : i32
      scf.if %cond3A_155 {
        %dma_wait3A_233 = arith.constant 3 : i32
        %dma_wait3A_234 = arith.constant 0 : i32
        %dma_wait3A_235 = arith.constant 0 : i32
        %dma_wait3A_236 = tpu.memref_slice %arg6[%arg1, %dma_wait3A_233, %dma_wait3A_234, %dma_wait3A_235] : memref<16x4x8x1024xf32, #tpu.memory_space<vmem_shared>> -> memref<1x1x8x1024xf32, #tpu.memory_space<vmem_shared>>
        %dma_wait3A_237 = tpu.memref_squeeze %dma_wait3A_236 : memref<1x1x8x1024xf32, #tpu.memory_space<vmem_shared>> -> memref<8x1024xf32, #tpu.memory_space<vmem_shared>>
        %dma_wait3A_238 = arith.constant 0 : i32
        %dma_wait3A_239 = arith.constant 0 : i32
        %dma_wait3A_240 = tpu.memref_slice %arg6[%arg1, %dma_wait3A_233, %dma_wait3A_238, %dma_wait3A_239] : memref<16x4x8x1024xf32, #tpu.memory_space<vmem_shared>> -> memref<1x1x8x1024xf32, #tpu.memory_space<vmem_shared>>
        %dma_wait3A_241 = tpu.memref_squeeze %dma_wait3A_240 : memref<1x1x8x1024xf32, #tpu.memory_space<vmem_shared>> -> memref<8x1024xf32, #tpu.memory_space<vmem_shared>>
        tpu.wait_dma2 semaphore(%arg18 : memref<!tpu.dma_semaphore, #tpu.memory_space<semaphore_mem>>) src(%arg10 : memref<8x1024xf32, #tpu.memory_space<vmem>>) dst(%dma_wait3A_241 : memref<8x1024xf32, #tpu.memory_space<vmem_shared>>)
        %sub3A = arith.constant 2 : i32
        %sub3A_242 = arith.subi %add3A_128, %sub3A : i32
        %mul3A_243 = arith.constant 8 : i32
        %mul3A_244 = arith.muli %sub3A_242, %mul3A_243 : i32
        %add3A_245 = arith.addi %mul3A_2, %mul3A_244 : i32
        %dma_start3A_246 = arith.constant 3 : i32
        %dma_start3A_247 = arith.constant 0 : i32
        %dma_start3A_248 = tpu.memref_slice %arg4[%add3A_245, %dma_start3A_247] : memref<32768x1024xf32, #tpu.memory_space<hbm>> -> memref<8x1024xf32, #tpu.memory_space<hbm>>
        %dma_start3A_249 = arith.constant 0 : i32
        %dma_start3A_250 = arith.constant 0 : i32
        %dma_start3A_251 = tpu.memref_slice %arg6[%arg1, %dma_start3A_246, %dma_start3A_249, %dma_start3A_250] : memref<16x4x8x1024xf32, #tpu.memory_space<vmem_shared>> -> memref<1x1x8x1024xf32, #tpu.memory_space<vmem_shared>>
        %dma_start3A_252 = tpu.memref_squeeze %dma_start3A_251 : memref<1x1x8x1024xf32, #tpu.memory_space<vmem_shared>> -> memref<8x1024xf32, #tpu.memory_space<vmem_shared>>
        tpu.enqueue_dma source(%dma_start3A_252 : memref<8x1024xf32, #tpu.memory_space<vmem_shared>>) target(%dma_start3A_248 : memref<8x1024xf32, #tpu.memory_space<hbm>>) target_semaphore(%arg22 : memref<!tpu.dma_semaphore, #tpu.memory_space<semaphore_mem>>)
      } else {
      }
      %lt3A_156 = arith.constant 128 : i32
      %lt3A_157 = arith.cmpi slt, %add3A_130, %lt3A_156 : i32
      %convert_element_type3A_158 = arith.extui %lt3A_157 : i1 to i32
      %cond3A_159 = arith.constant 0 : i32
      %cond3A_160 = arith.cmpi ne, %convert_element_type3A_158, %cond3A_159 : i32
      scf.if %cond3A_160 {
        %dma_start3A_233 = arith.constant 0 : i32
        %dma_start3A_234 = tpu.memref_slice %arg5[%add3A_130, %dma_start3A_233] : memref<128x8xi32, #tpu.memory_space<vmem>> -> memref<1x8xi32, #tpu.memory_space<vmem>>
        %dma_start3A_235 = tpu.memref_squeeze %dma_start3A_234 : memref<1x8xi32, #tpu.memory_space<vmem>> -> memref<8xi32, #tpu.memory_space<vmem>>
        %dma_start3A_236 = arith.constant 0 : i32
        %dma_start3A_237 = arith.constant 0 : i32
        %dma_start3A_238 = tpu.memref_slice %arg3[%dma_start3A_236, %dma_start3A_237] : memref<8192x1024xf32, #tpu.memory_space<hbm>> -> memref<8192x1024xf32, #tpu.memory_space<hbm>>
        tpu.enqueue_indirect_dma source(%dma_start3A_238 : memref<8192x1024xf32, #tpu.memory_space<hbm>>) target(%arg10 : memref<8x1024xf32, #tpu.memory_space<vmem>>) offsets(%dma_start3A_235 : memref<8xi32, #tpu.memory_space<vmem>>) semaphore(%arg14 : memref<!tpu.dma_semaphore, #tpu.memory_space<semaphore_mem>>)
      } else {
      }
      %mul3A_161 = arith.constant 4 : i32
      %mul3A_162 = arith.muli %mul3A_161, %scan3A_92 : i32
      %add3A_163 = arith.constant 2 : i32
      %add3A_164 = arith.addi %mul3A_162, %add3A_163 : i32
      %add3A_165 = arith.constant 2 : i32
      %add3A_166 = arith.addi %add3A_164, %add3A_165 : i32
      %dma_wait3A_167 = arith.constant 0 : i32
      %dma_wait3A_168 = tpu.memref_slice %arg5[%add3A_164, %dma_wait3A_167] : memref<128x8xi32, #tpu.memory_space<vmem>> -> memref<1x8xi32, #tpu.memory_space<vmem>>
      %dma_wait3A_169 = tpu.memref_squeeze %dma_wait3A_168 : memref<1x8xi32, #tpu.memory_space<vmem>> -> memref<8xi32, #tpu.memory_space<vmem>>
      %dma_wait3A_170 = arith.constant 0 : i32
      %dma_wait3A_171 = arith.constant 0 : i32
      %dma_wait3A_172 = tpu.memref_slice %arg3[%dma_wait3A_170, %dma_wait3A_171] : memref<8192x1024xf32, #tpu.memory_space<hbm>> -> memref<8192x1024xf32, #tpu.memory_space<hbm>>
      tpu.wait_indirect_dma semaphore(%arg13 : memref<!tpu.dma_semaphore, #tpu.memory_space<semaphore_mem>>) src(%dma_wait3A_172 : memref<8192x1024xf32, #tpu.memory_space<hbm>>) dst(%arg9 : memref<8x1024xf32, #tpu.memory_space<vmem>>)
      %ge3A_173 = arith.constant 4 : i32
      %ge3A_174 = arith.cmpi sge, %add3A_164, %ge3A_173 : i32
      %convert_element_type3A_175 = arith.extui %ge3A_174 : i1 to i32
      %cond3A_176 = arith.constant 0 : i32
      %cond3A_177 = arith.cmpi ne, %convert_element_type3A_175, %cond3A_176 : i32
      scf.if %cond3A_177 {
        %sub3A = arith.constant 4 : i32
        %sub3A_233 = arith.subi %add3A_164, %sub3A : i32
        %mul3A_234 = arith.constant 8 : i32
        %mul3A_235 = arith.muli %sub3A_233, %mul3A_234 : i32
        %add3A_236 = arith.addi %mul3A_2, %mul3A_235 : i32
        %dma_wait3A_237 = arith.constant 2 : i32
        %dma_wait3A_238 = arith.constant 0 : i32
        %dma_wait3A_239 = tpu.memref_slice %arg4[%add3A_236, %dma_wait3A_238] : memref<32768x1024xf32, #tpu.memory_space<hbm>> -> memref<8x1024xf32, #tpu.memory_space<hbm>>
        %dma_wait3A_240 = arith.constant 0 : i32
        %dma_wait3A_241 = arith.constant 0 : i32
        %dma_wait3A_242 = tpu.memref_slice %arg6[%arg1, %dma_wait3A_237, %dma_wait3A_240, %dma_wait3A_241] : memref<16x4x8x1024xf32, #tpu.memory_space<vmem_shared>> -> memref<1x1x8x1024xf32, #tpu.memory_space<vmem_shared>>
        %dma_wait3A_243 = tpu.memref_squeeze %dma_wait3A_242 : memref<1x1x8x1024xf32, #tpu.memory_space<vmem_shared>> -> memref<8x1024xf32, #tpu.memory_space<vmem_shared>>
        tpu.wait_dma2 semaphore(%arg21 : memref<!tpu.dma_semaphore, #tpu.memory_space<semaphore_mem>>) src(%dma_wait3A_243 : memref<8x1024xf32, #tpu.memory_space<vmem_shared>>) dst(%dma_wait3A_239 : memref<8x1024xf32, #tpu.memory_space<hbm>>)
      } else {
      }
      %dma_start3A_178 = arith.constant 2 : i32
      %dma_start3A_179 = arith.constant 0 : i32
      %dma_start3A_180 = arith.constant 0 : i32
      %dma_start3A_181 = tpu.memref_slice %arg6[%arg1, %dma_start3A_178, %dma_start3A_179, %dma_start3A_180] : memref<16x4x8x1024xf32, #tpu.memory_space<vmem_shared>> -> memref<1x1x8x1024xf32, #tpu.memory_space<vmem_shared>>
      %dma_start3A_182 = tpu.memref_squeeze %dma_start3A_181 : memref<1x1x8x1024xf32, #tpu.memory_space<vmem_shared>> -> memref<8x1024xf32, #tpu.memory_space<vmem_shared>>
      %dma_start3A_183 = arith.constant 0 : i32
      %dma_start3A_184 = arith.constant 0 : i32
      %dma_start3A_185 = tpu.memref_slice %arg6[%arg1, %dma_start3A_178, %dma_start3A_183, %dma_start3A_184] : memref<16x4x8x1024xf32, #tpu.memory_space<vmem_shared>> -> memref<1x1x8x1024xf32, #tpu.memory_space<vmem_shared>>
      %dma_start3A_186 = tpu.memref_squeeze %dma_start3A_185 : memref<1x1x8x1024xf32, #tpu.memory_space<vmem_shared>> -> memref<8x1024xf32, #tpu.memory_space<vmem_shared>>
      tpu.enqueue_dma source(%arg9 : memref<8x1024xf32, #tpu.memory_space<vmem>>) target(%dma_start3A_186 : memref<8x1024xf32, #tpu.memory_space<vmem_shared>>) target_semaphore(%arg17 : memref<!tpu.dma_semaphore, #tpu.memory_space<semaphore_mem>>)
      %ge3A_187 = arith.constant 2 : i32
      %ge3A_188 = arith.cmpi sge, %add3A_164, %ge3A_187 : i32
      %convert_element_type3A_189 = arith.extui %ge3A_188 : i1 to i32
      %cond3A_190 = arith.constant 0 : i32
      %cond3A_191 = arith.cmpi ne, %convert_element_type3A_189, %cond3A_190 : i32
      scf.if %cond3A_191 {
        %dma_wait3A_233 = arith.constant 0 : i32
        %dma_wait3A_234 = arith.constant 0 : i32
        %dma_wait3A_235 = arith.constant 0 : i32
        %dma_wait3A_236 = tpu.memref_slice %arg6[%arg1, %dma_wait3A_233, %dma_wait3A_234, %dma_wait3A_235] : memref<16x4x8x1024xf32, #tpu.memory_space<vmem_shared>> -> memref<1x1x8x1024xf32, #tpu.memory_space<vmem_shared>>
        %dma_wait3A_237 = tpu.memref_squeeze %dma_wait3A_236 : memref<1x1x8x1024xf32, #tpu.memory_space<vmem_shared>> -> memref<8x1024xf32, #tpu.memory_space<vmem_shared>>
        %dma_wait3A_238 = arith.constant 0 : i32
        %dma_wait3A_239 = arith.constant 0 : i32
        %dma_wait3A_240 = tpu.memref_slice %arg6[%arg1, %dma_wait3A_233, %dma_wait3A_238, %dma_wait3A_239] : memref<16x4x8x1024xf32, #tpu.memory_space<vmem_shared>> -> memref<1x1x8x1024xf32, #tpu.memory_space<vmem_shared>>
        %dma_wait3A_241 = tpu.memref_squeeze %dma_wait3A_240 : memref<1x1x8x1024xf32, #tpu.memory_space<vmem_shared>> -> memref<8x1024xf32, #tpu.memory_space<vmem_shared>>
        tpu.wait_dma2 semaphore(%arg15 : memref<!tpu.dma_semaphore, #tpu.memory_space<semaphore_mem>>) src(%arg7 : memref<8x1024xf32, #tpu.memory_space<vmem>>) dst(%dma_wait3A_241 : memref<8x1024xf32, #tpu.memory_space<vmem_shared>>)
        %sub3A = arith.constant 2 : i32
        %sub3A_242 = arith.subi %add3A_164, %sub3A : i32
        %mul3A_243 = arith.constant 8 : i32
        %mul3A_244 = arith.muli %sub3A_242, %mul3A_243 : i32
        %add3A_245 = arith.addi %mul3A_2, %mul3A_244 : i32
        %dma_start3A_246 = arith.constant 0 : i32
        %dma_start3A_247 = arith.constant 0 : i32
        %dma_start3A_248 = tpu.memref_slice %arg4[%add3A_245, %dma_start3A_247] : memref<32768x1024xf32, #tpu.memory_space<hbm>> -> memref<8x1024xf32, #tpu.memory_space<hbm>>
        %dma_start3A_249 = arith.constant 0 : i32
        %dma_start3A_250 = arith.constant 0 : i32
        %dma_start3A_251 = tpu.memref_slice %arg6[%arg1, %dma_start3A_246, %dma_start3A_249, %dma_start3A_250] : memref<16x4x8x1024xf32, #tpu.memory_space<vmem_shared>> -> memref<1x1x8x1024xf32, #tpu.memory_space<vmem_shared>>
        %dma_start3A_252 = tpu.memref_squeeze %dma_start3A_251 : memref<1x1x8x1024xf32, #tpu.memory_space<vmem_shared>> -> memref<8x1024xf32, #tpu.memory_space<vmem_shared>>
        tpu.enqueue_dma source(%dma_start3A_252 : memref<8x1024xf32, #tpu.memory_space<vmem_shared>>) target(%dma_start3A_248 : memref<8x1024xf32, #tpu.memory_space<hbm>>) target_semaphore(%arg19 : memref<!tpu.dma_semaphore, #tpu.memory_space<semaphore_mem>>)
      } else {
      }
      %lt3A_192 = arith.constant 128 : i32
      %lt3A_193 = arith.cmpi slt, %add3A_166, %lt3A_192 : i32
      %convert_element_type3A_194 = arith.extui %lt3A_193 : i1 to i32
      %cond3A_195 = arith.constant 0 : i32
      %cond3A_196 = arith.cmpi ne, %convert_element_type3A_194, %cond3A_195 : i32
      scf.if %cond3A_196 {
        %dma_start3A_233 = arith.constant 0 : i32
        %dma_start3A_234 = tpu.memref_slice %arg5[%add3A_166, %dma_start3A_233] : memref<128x8xi32, #tpu.memory_space<vmem>> -> memref<1x8xi32, #tpu.memory_space<vmem>>
        %dma_start3A_235 = tpu.memref_squeeze %dma_start3A_234 : memref<1x8xi32, #tpu.memory_space<vmem>> -> memref<8xi32, #tpu.memory_space<vmem>>
        %dma_start3A_236 = arith.constant 0 : i32
        %dma_start3A_237 = arith.constant 0 : i32
        %dma_start3A_238 = tpu.memref_slice %arg3[%dma_start3A_236, %dma_start3A_237] : memref<8192x1024xf32, #tpu.memory_space<hbm>> -> memref<8192x1024xf32, #tpu.memory_space<hbm>>
        tpu.enqueue_indirect_dma source(%dma_start3A_238 : memref<8192x1024xf32, #tpu.memory_space<hbm>>) target(%arg7 : memref<8x1024xf32, #tpu.memory_space<vmem>>) offsets(%dma_start3A_235 : memref<8xi32, #tpu.memory_space<vmem>>) semaphore(%arg11 : memref<!tpu.dma_semaphore, #tpu.memory_space<semaphore_mem>>)
      } else {
      }
      %mul3A_197 = arith.constant 4 : i32
      %mul3A_198 = arith.muli %mul3A_197, %scan3A_92 : i32
      %add3A_199 = arith.constant 3 : i32
      %add3A_200 = arith.addi %mul3A_198, %add3A_199 : i32
      %add3A_201 = arith.constant 2 : i32
      %add3A_202 = arith.addi %add3A_200, %add3A_201 : i32
      %dma_wait3A_203 = arith.constant 0 : i32
      %dma_wait3A_204 = tpu.memref_slice %arg5[%add3A_200, %dma_wait3A_203] : memref<128x8xi32, #tpu.memory_space<vmem>> -> memref<1x8xi32, #tpu.memory_space<vmem>>
      %dma_wait3A_205 = tpu.memref_squeeze %dma_wait3A_204 : memref<1x8xi32, #tpu.memory_space<vmem>> -> memref<8xi32, #tpu.memory_space<vmem>>
      %dma_wait3A_206 = arith.constant 0 : i32
      %dma_wait3A_207 = arith.constant 0 : i32
      %dma_wait3A_208 = tpu.memref_slice %arg3[%dma_wait3A_206, %dma_wait3A_207] : memref<8192x1024xf32, #tpu.memory_space<hbm>> -> memref<8192x1024xf32, #tpu.memory_space<hbm>>
      tpu.wait_indirect_dma semaphore(%arg14 : memref<!tpu.dma_semaphore, #tpu.memory_space<semaphore_mem>>) src(%dma_wait3A_208 : memref<8192x1024xf32, #tpu.memory_space<hbm>>) dst(%arg10 : memref<8x1024xf32, #tpu.memory_space<vmem>>)
      %ge3A_209 = arith.constant 4 : i32
      %ge3A_210 = arith.cmpi sge, %add3A_200, %ge3A_209 : i32
      %convert_element_type3A_211 = arith.extui %ge3A_210 : i1 to i32
      %cond3A_212 = arith.constant 0 : i32
      %cond3A_213 = arith.cmpi ne, %convert_element_type3A_211, %cond3A_212 : i32
      scf.if %cond3A_213 {
        %sub3A = arith.constant 4 : i32
        %sub3A_233 = arith.subi %add3A_200, %sub3A : i32
        %mul3A_234 = arith.constant 8 : i32
        %mul3A_235 = arith.muli %sub3A_233, %mul3A_234 : i32
        %add3A_236 = arith.addi %mul3A_2, %mul3A_235 : i32
        %dma_wait3A_237 = arith.constant 3 : i32
        %dma_wait3A_238 = arith.constant 0 : i32
        %dma_wait3A_239 = tpu.memref_slice %arg4[%add3A_236, %dma_wait3A_238] : memref<32768x1024xf32, #tpu.memory_space<hbm>> -> memref<8x1024xf32, #tpu.memory_space<hbm>>
        %dma_wait3A_240 = arith.constant 0 : i32
        %dma_wait3A_241 = arith.constant 0 : i32
        %dma_wait3A_242 = tpu.memref_slice %arg6[%arg1, %dma_wait3A_237, %dma_wait3A_240, %dma_wait3A_241] : memref<16x4x8x1024xf32, #tpu.memory_space<vmem_shared>> -> memref<1x1x8x1024xf32, #tpu.memory_space<vmem_shared>>
        %dma_wait3A_243 = tpu.memref_squeeze %dma_wait3A_242 : memref<1x1x8x1024xf32, #tpu.memory_space<vmem_shared>> -> memref<8x1024xf32, #tpu.memory_space<vmem_shared>>
        tpu.wait_dma2 semaphore(%arg22 : memref<!tpu.dma_semaphore, #tpu.memory_space<semaphore_mem>>) src(%dma_wait3A_243 : memref<8x1024xf32, #tpu.memory_space<vmem_shared>>) dst(%dma_wait3A_239 : memref<8x1024xf32, #tpu.memory_space<hbm>>)
      } else {
      }
      %dma_start3A_214 = arith.constant 3 : i32
      %dma_start3A_215 = arith.constant 0 : i32
      %dma_start3A_216 = arith.constant 0 : i32
      %dma_start3A_217 = tpu.memref_slice %arg6[%arg1, %dma_start3A_214, %dma_start3A_215, %dma_start3A_216] : memref<16x4x8x1024xf32, #tpu.memory_space<vmem_shared>> -> memref<1x1x8x1024xf32, #tpu.memory_space<vmem_shared>>
      %dma_start3A_218 = tpu.memref_squeeze %dma_start3A_217 : memref<1x1x8x1024xf32, #tpu.memory_space<vmem_shared>> -> memref<8x1024xf32, #tpu.memory_space<vmem_shared>>
      %dma_start3A_219 = arith.constant 0 : i32
      %dma_start3A_220 = arith.constant 0 : i32
      %dma_start3A_221 = tpu.memref_slice %arg6[%arg1, %dma_start3A_214, %dma_start3A_219, %dma_start3A_220] : memref<16x4x8x1024xf32, #tpu.memory_space<vmem_shared>> -> memref<1x1x8x1024xf32, #tpu.memory_space<vmem_shared>>
      %dma_start3A_222 = tpu.memref_squeeze %dma_start3A_221 : memref<1x1x8x1024xf32, #tpu.memory_space<vmem_shared>> -> memref<8x1024xf32, #tpu.memory_space<vmem_shared>>
      tpu.enqueue_dma source(%arg10 : memref<8x1024xf32, #tpu.memory_space<vmem>>) target(%dma_start3A_222 : memref<8x1024xf32, #tpu.memory_space<vmem_shared>>) target_semaphore(%arg18 : memref<!tpu.dma_semaphore, #tpu.memory_space<semaphore_mem>>)
      %ge3A_223 = arith.constant 2 : i32
      %ge3A_224 = arith.cmpi sge, %add3A_200, %ge3A_223 : i32
      %convert_element_type3A_225 = arith.extui %ge3A_224 : i1 to i32
      %cond3A_226 = arith.constant 0 : i32
      %cond3A_227 = arith.cmpi ne, %convert_element_type3A_225, %cond3A_226 : i32
      scf.if %cond3A_227 {
        %dma_wait3A_233 = arith.constant 1 : i32
        %dma_wait3A_234 = arith.constant 0 : i32
        %dma_wait3A_235 = arith.constant 0 : i32
        %dma_wait3A_236 = tpu.memref_slice %arg6[%arg1, %dma_wait3A_233, %dma_wait3A_234, %dma_wait3A_235] : memref<16x4x8x1024xf32, #tpu.memory_space<vmem_shared>> -> memref<1x1x8x1024xf32, #tpu.memory_space<vmem_shared>>
        %dma_wait3A_237 = tpu.memref_squeeze %dma_wait3A_236 : memref<1x1x8x1024xf32, #tpu.memory_space<vmem_shared>> -> memref<8x1024xf32, #tpu.memory_space<vmem_shared>>
        %dma_wait3A_238 = arith.constant 0 : i32
        %dma_wait3A_239 = arith.constant 0 : i32
        %dma_wait3A_240 = tpu.memref_slice %arg6[%arg1, %dma_wait3A_233, %dma_wait3A_238, %dma_wait3A_239] : memref<16x4x8x1024xf32, #tpu.memory_space<vmem_shared>> -> memref<1x1x8x1024xf32, #tpu.memory_space<vmem_shared>>
        %dma_wait3A_241 = tpu.memref_squeeze %dma_wait3A_240 : memref<1x1x8x1024xf32, #tpu.memory_space<vmem_shared>> -> memref<8x1024xf32, #tpu.memory_space<vmem_shared>>
        tpu.wait_dma2 semaphore(%arg16 : memref<!tpu.dma_semaphore, #tpu.memory_space<semaphore_mem>>) src(%arg8 : memref<8x1024xf32, #tpu.memory_space<vmem>>) dst(%dma_wait3A_241 : memref<8x1024xf32, #tpu.memory_space<vmem_shared>>)
        %sub3A = arith.constant 2 : i32
        %sub3A_242 = arith.subi %add3A_200, %sub3A : i32
        %mul3A_243 = arith.constant 8 : i32
        %mul3A_244 = arith.muli %sub3A_242, %mul3A_243 : i32
        %add3A_245 = arith.addi %mul3A_2, %mul3A_244 : i32
        %dma_start3A_246 = arith.constant 1 : i32
        %dma_start3A_247 = arith.constant 0 : i32
        %dma_start3A_248 = tpu.memref_slice %arg4[%add3A_245, %dma_start3A_247] : memref<32768x1024xf32, #tpu.memory_space<hbm>> -> memref<8x1024xf32, #tpu.memory_space<hbm>>
        %dma_start3A_249 = arith.constant 0 : i32
        %dma_start3A_250 = arith.constant 0 : i32
        %dma_start3A_251 = tpu.memref_slice %arg6[%arg1, %dma_start3A_246, %dma_start3A_249, %dma_start3A_250] : memref<16x4x8x1024xf32, #tpu.memory_space<vmem_shared>> -> memref<1x1x8x1024xf32, #tpu.memory_space<vmem_shared>>
        %dma_start3A_252 = tpu.memref_squeeze %dma_start3A_251 : memref<1x1x8x1024xf32, #tpu.memory_space<vmem_shared>> -> memref<8x1024xf32, #tpu.memory_space<vmem_shared>>
        tpu.enqueue_dma source(%dma_start3A_252 : memref<8x1024xf32, #tpu.memory_space<vmem_shared>>) target(%dma_start3A_248 : memref<8x1024xf32, #tpu.memory_space<hbm>>) target_semaphore(%arg20 : memref<!tpu.dma_semaphore, #tpu.memory_space<semaphore_mem>>)
      } else {
      }
      %lt3A_228 = arith.constant 128 : i32
      %lt3A_229 = arith.cmpi slt, %add3A_202, %lt3A_228 : i32
      %convert_element_type3A_230 = arith.extui %lt3A_229 : i1 to i32
      %cond3A_231 = arith.constant 0 : i32
      %cond3A_232 = arith.cmpi ne, %convert_element_type3A_230, %cond3A_231 : i32
      scf.if %cond3A_232 {
        %dma_start3A_233 = arith.constant 0 : i32
        %dma_start3A_234 = tpu.memref_slice %arg5[%add3A_202, %dma_start3A_233] : memref<128x8xi32, #tpu.memory_space<vmem>> -> memref<1x8xi32, #tpu.memory_space<vmem>>
        %dma_start3A_235 = tpu.memref_squeeze %dma_start3A_234 : memref<1x8xi32, #tpu.memory_space<vmem>> -> memref<8xi32, #tpu.memory_space<vmem>>
        %dma_start3A_236 = arith.constant 0 : i32
        %dma_start3A_237 = arith.constant 0 : i32
        %dma_start3A_238 = tpu.memref_slice %arg3[%dma_start3A_236, %dma_start3A_237] : memref<8192x1024xf32, #tpu.memory_space<hbm>> -> memref<8192x1024xf32, #tpu.memory_space<hbm>>
        tpu.enqueue_indirect_dma source(%dma_start3A_238 : memref<8192x1024xf32, #tpu.memory_space<hbm>>) target(%arg8 : memref<8x1024xf32, #tpu.memory_space<vmem>>) offsets(%dma_start3A_235 : memref<8xi32, #tpu.memory_space<vmem>>) semaphore(%arg12 : memref<!tpu.dma_semaphore, #tpu.memory_space<semaphore_mem>>)
      } else {
      }
    }
    %scan3A_20 = arith.constant 32 : i32
    %dma_wait3A = arith.constant 2 : i32
    %dma_wait3A_21 = arith.constant 0 : i32
    %dma_wait3A_22 = arith.constant 0 : i32
    %dma_wait3A_23 = tpu.memref_slice %arg6[%arg1, %dma_wait3A, %dma_wait3A_21, %dma_wait3A_22] : memref<16x4x8x1024xf32, #tpu.memory_space<vmem_shared>> -> memref<1x1x8x1024xf32, #tpu.memory_space<vmem_shared>>
    %dma_wait3A_24 = tpu.memref_squeeze %dma_wait3A_23 : memref<1x1x8x1024xf32, #tpu.memory_space<vmem_shared>> -> memref<8x1024xf32, #tpu.memory_space<vmem_shared>>
    %dma_wait3A_25 = arith.constant 0 : i32
    %dma_wait3A_26 = arith.constant 0 : i32
    %dma_wait3A_27 = tpu.memref_slice %arg6[%arg1, %dma_wait3A, %dma_wait3A_25, %dma_wait3A_26] : memref<16x4x8x1024xf32, #tpu.memory_space<vmem_shared>> -> memref<1x1x8x1024xf32, #tpu.memory_space<vmem_shared>>
    %dma_wait3A_28 = tpu.memref_squeeze %dma_wait3A_27 : memref<1x1x8x1024xf32, #tpu.memory_space<vmem_shared>> -> memref<8x1024xf32, #tpu.memory_space<vmem_shared>>
    tpu.wait_dma2 semaphore(%arg17 : memref<!tpu.dma_semaphore, #tpu.memory_space<semaphore_mem>>) src(%arg9 : memref<8x1024xf32, #tpu.memory_space<vmem>>) dst(%dma_wait3A_28 : memref<8x1024xf32, #tpu.memory_space<vmem_shared>>)
    %add3A_29 = arith.constant 1008 : i32
    %add3A_30 = arith.addi %mul3A_2, %add3A_29 : i32
    %dma_start3A_31 = arith.constant 2 : i32
    %dma_start3A_32 = arith.constant 0 : i32
    %dma_start3A_33 = tpu.memref_slice %arg4[%add3A_30, %dma_start3A_32] : memref<32768x1024xf32, #tpu.memory_space<hbm>> -> memref<8x1024xf32, #tpu.memory_space<hbm>>
    %dma_start3A_34 = arith.constant 0 : i32
    %dma_start3A_35 = arith.constant 0 : i32
    %dma_start3A_36 = tpu.memref_slice %arg6[%arg1, %dma_start3A_31, %dma_start3A_34, %dma_start3A_35] : memref<16x4x8x1024xf32, #tpu.memory_space<vmem_shared>> -> memref<1x1x8x1024xf32, #tpu.memory_space<vmem_shared>>
    %dma_start3A_37 = tpu.memref_squeeze %dma_start3A_36 : memref<1x1x8x1024xf32, #tpu.memory_space<vmem_shared>> -> memref<8x1024xf32, #tpu.memory_space<vmem_shared>>
    tpu.enqueue_dma source(%dma_start3A_37 : memref<8x1024xf32, #tpu.memory_space<vmem_shared>>) target(%dma_start3A_33 : memref<8x1024xf32, #tpu.memory_space<hbm>>) target_semaphore(%arg21 : memref<!tpu.dma_semaphore, #tpu.memory_space<semaphore_mem>>)
    %dma_wait3A_38 = arith.constant 3 : i32
    %dma_wait3A_39 = arith.constant 0 : i32
    %dma_wait3A_40 = arith.constant 0 : i32
    %dma_wait3A_41 = tpu.memref_slice %arg6[%arg1, %dma_wait3A_38, %dma_wait3A_39, %dma_wait3A_40] : memref<16x4x8x1024xf32, #tpu.memory_space<vmem_shared>> -> memref<1x1x8x1024xf32, #tpu.memory_space<vmem_shared>>
    %dma_wait3A_42 = tpu.memref_squeeze %dma_wait3A_41 : memref<1x1x8x1024xf32, #tpu.memory_space<vmem_shared>> -> memref<8x1024xf32, #tpu.memory_space<vmem_shared>>
    %dma_wait3A_43 = arith.constant 0 : i32
    %dma_wait3A_44 = arith.constant 0 : i32
    %dma_wait3A_45 = tpu.memref_slice %arg6[%arg1, %dma_wait3A_38, %dma_wait3A_43, %dma_wait3A_44] : memref<16x4x8x1024xf32, #tpu.memory_space<vmem_shared>> -> memref<1x1x8x1024xf32, #tpu.memory_space<vmem_shared>>
    %dma_wait3A_46 = tpu.memref_squeeze %dma_wait3A_45 : memref<1x1x8x1024xf32, #tpu.memory_space<vmem_shared>> -> memref<8x1024xf32, #tpu.memory_space<vmem_shared>>
    tpu.wait_dma2 semaphore(%arg18 : memref<!tpu.dma_semaphore, #tpu.memory_space<semaphore_mem>>) src(%arg10 : memref<8x1024xf32, #tpu.memory_space<vmem>>) dst(%dma_wait3A_46 : memref<8x1024xf32, #tpu.memory_space<vmem_shared>>)
    %add3A_47 = arith.constant 1016 : i32
    %add3A_48 = arith.addi %mul3A_2, %add3A_47 : i32
    %dma_start3A_49 = arith.constant 3 : i32
    %dma_start3A_50 = arith.constant 0 : i32
    %dma_start3A_51 = tpu.memref_slice %arg4[%add3A_48, %dma_start3A_50] : memref<32768x1024xf32, #tpu.memory_space<hbm>> -> memref<8x1024xf32, #tpu.memory_space<hbm>>
    %dma_start3A_52 = arith.constant 0 : i32
    %dma_start3A_53 = arith.constant 0 : i32
    %dma_start3A_54 = tpu.memref_slice %arg6[%arg1, %dma_start3A_49, %dma_start3A_52, %dma_start3A_53] : memref<16x4x8x1024xf32, #tpu.memory_space<vmem_shared>> -> memref<1x1x8x1024xf32, #tpu.memory_space<vmem_shared>>
    %dma_start3A_55 = tpu.memref_squeeze %dma_start3A_54 : memref<1x1x8x1024xf32, #tpu.memory_space<vmem_shared>> -> memref<8x1024xf32, #tpu.memory_space<vmem_shared>>
    tpu.enqueue_dma source(%dma_start3A_55 : memref<8x1024xf32, #tpu.memory_space<vmem_shared>>) target(%dma_start3A_51 : memref<8x1024xf32, #tpu.memory_space<hbm>>) target_semaphore(%arg22 : memref<!tpu.dma_semaphore, #tpu.memory_space<semaphore_mem>>)
    %add3A_56 = arith.constant 992 : i32
    %add3A_57 = arith.addi %mul3A_2, %add3A_56 : i32
    %dma_wait3A_58 = arith.constant 0 : i32
    %dma_wait3A_59 = arith.constant 0 : i32
    %dma_wait3A_60 = tpu.memref_slice %arg4[%add3A_57, %dma_wait3A_59] : memref<32768x1024xf32, #tpu.memory_space<hbm>> -> memref<8x1024xf32, #tpu.memory_space<hbm>>
    %dma_wait3A_61 = arith.constant 0 : i32
    %dma_wait3A_62 = arith.constant 0 : i32
    %dma_wait3A_63 = tpu.memref_slice %arg6[%arg1, %dma_wait3A_58, %dma_wait3A_61, %dma_wait3A_62] : memref<16x4x8x1024xf32, #tpu.memory_space<vmem_shared>> -> memref<1x1x8x1024xf32, #tpu.memory_space<vmem_shared>>
    %dma_wait3A_64 = tpu.memref_squeeze %dma_wait3A_63 : memref<1x1x8x1024xf32, #tpu.memory_space<vmem_shared>> -> memref<8x1024xf32, #tpu.memory_space<vmem_shared>>
    tpu.wait_dma2 semaphore(%arg19 : memref<!tpu.dma_semaphore, #tpu.memory_space<semaphore_mem>>) src(%dma_wait3A_64 : memref<8x1024xf32, #tpu.memory_space<vmem_shared>>) dst(%dma_wait3A_60 : memref<8x1024xf32, #tpu.memory_space<hbm>>)
    %add3A_65 = arith.constant 1000 : i32
    %add3A_66 = arith.addi %mul3A_2, %add3A_65 : i32
    %dma_wait3A_67 = arith.constant 1 : i32
    %dma_wait3A_68 = arith.constant 0 : i32
    %dma_wait3A_69 = tpu.memref_slice %arg4[%add3A_66, %dma_wait3A_68] : memref<32768x1024xf32, #tpu.memory_space<hbm>> -> memref<8x1024xf32, #tpu.memory_space<hbm>>
    %dma_wait3A_70 = arith.constant 0 : i32
    %dma_wait3A_71 = arith.constant 0 : i32
    %dma_wait3A_72 = tpu.memref_slice %arg6[%arg1, %dma_wait3A_67, %dma_wait3A_70, %dma_wait3A_71] : memref<16x4x8x1024xf32, #tpu.memory_space<vmem_shared>> -> memref<1x1x8x1024xf32, #tpu.memory_space<vmem_shared>>
    %dma_wait3A_73 = tpu.memref_squeeze %dma_wait3A_72 : memref<1x1x8x1024xf32, #tpu.memory_space<vmem_shared>> -> memref<8x1024xf32, #tpu.memory_space<vmem_shared>>
    tpu.wait_dma2 semaphore(%arg20 : memref<!tpu.dma_semaphore, #tpu.memory_space<semaphore_mem>>) src(%dma_wait3A_73 : memref<8x1024xf32, #tpu.memory_space<vmem_shared>>) dst(%dma_wait3A_69 : memref<8x1024xf32, #tpu.memory_space<hbm>>)
    %add3A_74 = arith.constant 1008 : i32
    %add3A_75 = arith.addi %mul3A_2, %add3A_74 : i32
    %dma_wait3A_76 = arith.constant 2 : i32
    %dma_wait3A_77 = arith.constant 0 : i32
    %dma_wait3A_78 = tpu.memref_slice %arg4[%add3A_75, %dma_wait3A_77] : memref<32768x1024xf32, #tpu.memory_space<hbm>> -> memref<8x1024xf32, #tpu.memory_space<hbm>>
    %dma_wait3A_79 = arith.constant 0 : i32
    %dma_wait3A_80 = arith.constant 0 : i32
    %dma_wait3A_81 = tpu.memref_slice %arg6[%arg1, %dma_wait3A_76, %dma_wait3A_79, %dma_wait3A_80] : memref<16x4x8x1024xf32, #tpu.memory_space<vmem_shared>> -> memref<1x1x8x1024xf32, #tpu.memory_space<vmem_shared>>
    %dma_wait3A_82 = tpu.memref_squeeze %dma_wait3A_81 : memref<1x1x8x1024xf32, #tpu.memory_space<vmem_shared>> -> memref<8x1024xf32, #tpu.memory_space<vmem_shared>>
    tpu.wait_dma2 semaphore(%arg21 : memref<!tpu.dma_semaphore, #tpu.memory_space<semaphore_mem>>) src(%dma_wait3A_82 : memref<8x1024xf32, #tpu.memory_space<vmem_shared>>) dst(%dma_wait3A_78 : memref<8x1024xf32, #tpu.memory_space<hbm>>)
    %add3A_83 = arith.constant 1016 : i32
    %add3A_84 = arith.addi %mul3A_2, %add3A_83 : i32
    %dma_wait3A_85 = arith.constant 3 : i32
    %dma_wait3A_86 = arith.constant 0 : i32
    %dma_wait3A_87 = tpu.memref_slice %arg4[%add3A_84, %dma_wait3A_86] : memref<32768x1024xf32, #tpu.memory_space<hbm>> -> memref<8x1024xf32, #tpu.memory_space<hbm>>
    %dma_wait3A_88 = arith.constant 0 : i32
    %dma_wait3A_89 = arith.constant 0 : i32
    %dma_wait3A_90 = tpu.memref_slice %arg6[%arg1, %dma_wait3A_85, %dma_wait3A_88, %dma_wait3A_89] : memref<16x4x8x1024xf32, #tpu.memory_space<vmem_shared>> -> memref<1x1x8x1024xf32, #tpu.memory_space<vmem_shared>>
    %dma_wait3A_91 = tpu.memref_squeeze %dma_wait3A_90 : memref<1x1x8x1024xf32, #tpu.memory_space<vmem_shared>> -> memref<8x1024xf32, #tpu.memory_space<vmem_shared>>
    tpu.wait_dma2 semaphore(%arg22 : memref<!tpu.dma_semaphore, #tpu.memory_space<semaphore_mem>>) src(%dma_wait3A_91 : memref<8x1024xf32, #tpu.memory_space<vmem_shared>>) dst(%dma_wait3A_87 : memref<8x1024xf32, #tpu.memory_space<hbm>>)
    return
  }
}

</mosaic_0001>

<sc_bundles>
// kernel: kernel.3.cloned.1.call-start
scs
__scs_entry_jumppad:
0x0: {  	(pc) =	sbr.rel $0x88, $3  }
0x1: {  	(tag) =	ssettag $0x0;
	lr =	simm.s32 $0x1  }
0x2: {  	[smem:$0x3F9F] =	sst lr;
	_ =	strace $0xD0000000  }
0x3: {  	_ = 	snop  }
0x4: {  	_ = 	snop  }
0x5: {  	_ = 	snop  }
0x6: {  	_ = 	snop  }
0x7: {  	_ = 	snop  }
__scs_overlays_trampoline_lowered:
0x8: {  	[smem:$0x3FAE] =	sst s0  }
0x9: {  	[smem:$0x3FAF] =	sst s1  }
0xa: {  	[smem:$0x3FB0] =	sst s2  }
0xb: {  	[smem:$0x3FB1] =	sst s3  }
0xc: {  	[smem:$0x3FB2] =	sst s4  }
0xd: {  	[smem:$0x3FB3] =	sst s5  }
0xe: {  	[smem:$0x3FB4] =	sst s6  }
0xf: {  	[smem:$0x3FB5] =	sst s7  }
0x10: {  	[smem:$0x3FB6] =	sst s8  }
0x11: {  	[smem:$0x3FB7] =	sst s9;
	s0 =	simm.s32 @!p0 $0x0  }
0x12: {  	s1 =	sld [smem:$0x3F9D];
	s0 =	simm.s32 @p0 $0x1  }
0x13: {  	[smem:$0x3FB8] =	sst s0;
	s0 =	simm.s32 @!p1 $0x0  }
0x14: {  	s2 =	sld [smem:$0x3F9C];
	s0 =	simm.s32 @p1 $0x1  }
0x15: {  	[smem:$0x3FB9] =	sst s0;
	s0 =	simm.s32 @!p2 $0x0  }
0x16: {  	s3 =	sld [smem:$0x3FDB];
	s0 =	simm.s32 @p2 $0x1  }
0x17: {  	s4 =	simm.s32 $0x1BF5;
	[smem:$0x3FBB] =	sst s0  }
0x18: {  	s0 =	sld [smem:$0x3F9E];
	_ =	swait.ge [sflag:s4], $0x0  }
0x19: {  	s7 =	sld [smem:$0x3F9F]  }
0x1a: {  	s8 =	sadd.s32 $0xFFFFE003, lr  }
0x1b: {  	s9 =	sadd.s32 $0xFFFFFEF7, lr;
	s5 =	simm.s32 $0xFFFFFFFF;
	p2 =	slt.u32 s8, $0xFFFFF086  }
0x1c: {  	p1 =	slt.u32 s9, $0xF7A;
	s5 =	simm.s32 @!p2 $0x0  }
0x1d: {  	s5 =	simm.s32 @p1 $0x1;
	p0 =	seq.s32 s7, s2  }
0x1e: {  	s7 =	smul.u32 @!p0 $0xF7A, s2;
	p2 =	seq.s32 @!p0 s5, $0x0  }
0x1f: {  	s9 =	smul.u32 $0xF7A, s1;
	s8 =	simm.s32 @!p0 $0x1BF5;
	p2 =	por !p2, p0  }
0x20: {  	[sflag:s8] =	ssyncset.s32 @!p0 $0xFFFFF086;
	s6 =	sadd.s32 @!p0 s3, s7;
	s7 =	simm.s32 @!p0 $0x108  }
0x21: {  	s3 =	sadd.s32 s3, s9;
	s6 =	sadd.s32 @!p0 $0x88, s6;
	s7 =	simm.s32 @p2 $0x1082  }
0x22: {  	[simem:s7], [sflag:s8] =	dma.local @!p0 [hbm:s6], $0xF7A  }
0x23: {  	s9 =	sor.u32 $0xD0000000, s2;
	s6 =	simm.s32 $0x108;
	_ =	swait.ge @!p0 [sflag:s8], $0x0  }
0x24: {  	s3 =	sadd.s32 $0x88, s3;
	s6 =	simm.s32 @!p1 $0x1082;
	[sflag:s4] =	ssyncset.s32 $0xFFFFF086  }
0x25: {  	[simem:s6], [sflag:s4] =	dma.local [hbm:s3], $0xF7A  }
0x26: {  	[smem:$0x3F9F] =	sst s1;
	(tag) =	ssettag s2;
	_ =	strace s9  }
0x27: {  	s1 =	sld [smem:$0x3FAF]  }
0x28: {  	s2 =	sld [smem:$0x3FB0]  }
0x29: {  	s4 =	sld [smem:$0x3FB2]  }
0x2a: {  	p0 =	seq.s32 s5, $0x0;
	s5 =	sld [smem:$0x3FB3]  }
0x2b: {  	s6 =	sld [smem:$0x3FB4]  }
0x2c: {  	s7 =	sld [smem:$0x3FB5]  }
0x2d: {  	s3 =	simm.s32 $0x108;
	s8 =	sld [smem:$0x3FB6]  }
0x2e: {  	s3 =	simm.s32 @!p0 $0x1082;
	s9 =	sld [smem:$0x3FB7]  }
0x2f: {  	lr =	sadd.s32 s0, s3;
	s0 =	sld [smem:$0x3FAE]  }
0x30: {  	s3 =	sld [smem:$0x3FB1]  }
0x31: {  	[smem:$0x3FBA] =	sst s10  }
0x32: {  	s10 =	sld [smem:$0x3FB8];
	_ =	sdelay $0x3  }
0x33: {  	p0 =	seq.s32 s10, $0x1;
	s10 =	sld [smem:$0x3FBA];
	_ =	sdelay $0x3  }
0x34: {  	[smem:$0x3FBA] =	sst s10  }
0x35: {  	s10 =	sld [smem:$0x3FB9];
	_ =	sdelay $0x3  }
0x36: {  	p1 =	seq.s32 s10, $0x1;
	s10 =	sld [smem:$0x3FBA];
	_ =	sdelay $0x3  }
0x37: {  	[smem:$0x3FBA] =	sst s10  }
0x38: {  	s10 =	sld [smem:$0x3FBB]  }
0x39: {  	_ = 	snop;
	(pc) =	sbr.ind lr, $3  }
0x3a: {  	_ = 	snop  }
0x3b: {  	_ = 	snop  }
0x3c: {  	p2 =	seq.s32 s10, $0x1;
	s10 =	sld [smem:$0x3FBA]  }
0x3d: {  	_ =	shalt  }
0x3e: {  	_ =	shalt  }
0x3f: {  	_ =	shalt  }
0x40: {  	_ =	shalt  }
0x41: {  	_ =	shalt  }
0x42: {  	_ =	shalt  }
0x43: {  	_ =	shalt  }
0x44: {  	_ =	shalt  }
0x45: {  	_ =	shalt  }
0x46: {  	_ =	shalt  }
0x47: {  	_ =	shalt  }
0x48: {  	_ =	shalt  }
0x49: {  	_ =	shalt  }
0x4a: {  	_ =	shalt  }
0x4b: {  	_ =	shalt  }
0x4c: {  	_ =	shalt  }
0x4d: {  	_ =	shalt  }
0x4e: {  	_ =	shalt  }
0x4f: {  	_ =	shalt  }
0x50: {  	_ =	shalt  }
0x51: {  	_ =	shalt  }
0x52: {  	_ =	shalt  }
0x53: {  	_ =	shalt  }
0x54: {  	_ =	shalt  }
0x55: {  	_ =	shalt  }
0x56: {  	_ =	shalt  }
0x57: {  	_ =	shalt  }
0x58: {  	_ =	shalt  }
0x59: {  	_ =	shalt  }
0x5a: {  	_ =	shalt  }
0x5b: {  	_ =	shalt  }
0x5c: {  	_ =	shalt  }
0x5d: {  	_ =	shalt  }
0x5e: {  	_ =	shalt  }
0x5f: {  	_ =	shalt  }
0x60: {  	_ =	shalt  }
0x61: {  	_ =	shalt  }
0x62: {  	_ =	shalt  }
0x63: {  	_ =	shalt  }
0x64: {  	_ =	shalt  }
0x65: {  	_ =	shalt  }
0x66: {  	_ =	shalt  }
0x67: {  	_ =	shalt  }
0x68: {  	_ =	shalt  }
0x69: {  	_ =	shalt  }
0x6a: {  	_ =	shalt  }
0x6b: {  	_ =	shalt  }
0x6c: {  	_ =	shalt  }
0x6d: {  	_ =	shalt  }
0x6e: {  	_ =	shalt  }
0x6f: {  	_ =	shalt  }
0x70: {  	_ =	shalt  }
0x71: {  	_ =	shalt  }
0x72: {  	_ =	shalt  }
0x73: {  	_ =	shalt  }
0x74: {  	_ =	shalt  }
0x75: {  	_ =	shalt  }
0x76: {  	_ =	shalt  }
0x77: {  	_ =	shalt  }
0x78: {  	_ =	shalt  }
0x79: {  	_ =	shalt  }
0x7a: {  	_ =	shalt  }
0x7b: {  	_ =	shalt  }
0x7c: {  	_ =	shalt  }
0x7d: {  	_ =	shalt  }
0x7e: {  	_ =	shalt  }
0x7f: {  	_ =	shalt  }
0x80: {  	_ =	shalt  }
0x81: {  	_ =	shalt  }
0x82: {  	_ =	shalt  }
0x83: {  	_ =	shalt  }
0x84: {  	_ =	shalt  }
0x85: {  	_ =	shalt  }
0x86: {  	_ =	shalt  }
0x87: {  	_ =	shalt  }
.Lfunc_end0:
.L_simem_size_0:
called_computation_lowered:
.L_overlay_start_0:
0x88: {  	s2 =	sld [smem:$0x3FD9]  }
0x89: {  	s3 =	sld [smem:$0x3FFE];
	_ =	sdelay $0x1  }
0x8a: {  	s1 =	srdreg.scid  }
0x8b: {  	s0 =	sand.u32 $0x1, s1  }
0x8c: {  	s17 =	sshll.u32 s0, $0xA;
	s2 =	sadd.s32 s3, s2  }
0x8d: {  	s2 =	sadd.s32 s2, s17  }
0x8e: {  	[smem:$0x3FC6] =	sst s2  }
0x8f: {  	_ = 	snop  }
0x90: {  	s2 =	sld [smem:$0x3FC8]  }
0x91: {  	s18 =	sld [smem:$0x3FD0];
	(tm) =	ssettm $0x1  }
0x92: {  	s4 =	sld [smem:$0x3FFB];
	_ =	sdelay $0x3  }
0x93: {  	_ =	strace s4  }
0x94: {  	s4 =	sld [smem:$0x3FFC];
	_ =	sdelay $0x3  }
0x95: {  	_ =	strace s4  }
0x96: {  	s4 =	sld [smem:$0x3FFD];
	_ =	sdelay $0x3  }
0x97: {  	_ =	strace s4  }
0x98: {  	_ =	strace $0x8FFFFFFF  }
0x99: {  	s19 =	sld [smem:$0x3FDB];
	_ =	sdelay $0x1  }
0x9a: {  	s5 =	simm.s32 $_scs_section_size  }
0x9b: {  	s6 =	simm.s32 $_size__tile_overlayer_lowered;
	s7 =	simm.s32 $_tile_overlayer_lowered  }
0x9c: {  	s22 =	simm.s32 $0x1BFF;
	s21 =	sshll.u32 s7, $0x1;
	s4 =	sadd.s32 s5, s19  }
0x9d: {  	s8 =	simm.s32 $0x0;
	s20 =	sshll.u32 s6, $0x1;
	s6 =	sadd.s32 s21, s4  }
0x9e: {  	[timem:s8], [sflag:s22] =	dma.local [hbm:s6], s20  }
0x9f: {  	_ =	swait.ge [sflag:s22], s20  }
0xa0: {  	s5 =	ssub.s32 $0x0, s20;
	[sflag:s22] =	ssyncset.done $0x0  }
0xa1: {  	[sflag:s22] =	ssyncadd.s32 s5;
	_ =	sdelay $0x1  }
0xa2: {  	s23 =	simm.s32 $0x1B8B  }
0xa3: {  	_ =	swait.ge [sflag:s23], $0x1  }
0xa4: {  	[sflag:s23] =	ssyncset.done $0x0  }
0xa5: {  	s25 =	simm.s32 $0x1B8E;
	s24 =	sld [smem:$0x3FFE];
	[sflag:s23] =	ssyncadd.s32 $0xFFFFFFFF  }
0xa6: {  	s26 =	simm.s32 $execute0_lowered;
	[smem:$0x3FD2] =	sst s25  }
0xa7: {  	s6 =	sshll.u32 s26, $0x1;
	_ =	strace $0x80000046;
	[dreg:$0x1] =	wrdreg $0xFFFFFFFF  }
0xa8: {  	s28 =	simm.s32 $_size_execute0_lowered;
	s4 =	sadd.s32 s4, s6;
	[dreg:$0x0] =	wrdreg $0x0  }
0xa9: {  	s6 =	sshll.u32 s28, $0x1;
	[dreg:$0x2] =	wrdreg s4  }
0xaa: {  	[dreg:$0x3] =	wrdreg s6  }
0xab: {  	[dreg:$0x4] =	wrdreg $0xC0  }
0xac: {  	_ =	task [dreg:s8], $0x5FFFF  }
0xad: {  	[dreg:$0x1] =	wrdreg $0xFFFFFFFF  }
0xae: {  	[dreg:$0x0] =	wrdreg $0x60  }
0xaf: {  	[dreg:$0x2] =	wrdreg s24  }
0xb0: {  	[dreg:$0x3] =	wrdreg s2  }
0xb1: {  	[dreg:$0x4] =	wrdreg s18  }
0xb2: {  	[dreg:$0x5] =	wrdreg $0x40000  }
0xb3: {  	[dreg:$0x6] =	wrdreg $0x9  }
0xb4: {  	_ =	task.clear_ibuf [dreg:s8], $0x7FFFF;
	_ =	strace $0x90000046  }
0xb5: {  	s29 =	simm.s32 $0x9;
	_ =	strace $0x80000048  }
0xb6: {  	_ =	swait.ge [sflag:s29], $0x1  }
0xb7: {  	[sflag:s29] =	ssyncadd.s32 $0xFFFFFFFF  }
0xb8: {  	_ =	strace $0x90000048  }
0xb9: {  	_ =	sfence  }
0xba: {  	s30 =	sld [smem:$0x0];
	_ =	sdelay $0x2  }
0xbb: {  	s31 =	sshll.u32 s1, $0xD;
	s1 =	sshrl.u32 s1, $0x2  }
0xbc: {  	s3 =	sand.u32 $0x4000, s31;
	s1 =	sadd.s32 s1, s30  }
0xbd: {  	s0 =	sor.u32 s3, s0;
	s1 =	sshll.u32 s1, $0x11  }
0xbe: {  	s0 =	sor.u32 s1, s0  }
0xbf: {  	s0 =	sadd.s32 $0x8F2B, s0  }
0xc0: {  	[sflag:s0] =	ssyncadd.remote.s32 $0x1  }
0xc1: {  	_ =	sfence.sel $0xFFFF  }
0xc2: {  	[dreg:$0x0] =	wrdreg $0xFFFFFFFF;
	(pc) =	sbr.abs _section_cstart, $3  }
0xc3: {  	[dreg:$0x1] =	wrdreg $0xFFFFFFFF  }
0xc4: {  	_ =	task.clear_ibuf [dreg:s8], $0x2FFFF;
	_ =	strace $0x9FFFFFFF  }
0xc5: {  	(tm) =	ssettm $0x7FFFFFFF  }
tec
execute0_lowered:
.L_overlay_start_1:
0x0: {  	(tag) =	ssettag $0x1  }
0x1: {  	s0 =	rddreg [dreg:$0x0]  }
0x2: {  	s2 =	rddreg [dreg:$0x1]  }
0x3: {  	s4 =	rddreg [dreg:$0x2]  }
0x4: {  	s7 =	rddreg [dreg:$0x3]  }
0x5: {  	s3 =	srdreg.scid;
	s1 =	stileid.u32  }
0x6: {  	s30 =	simm.s32 $0x11800;
	s31 =	simm.s32 $0x2;
	s16 =	simm.s32 $0x5  }
0x7: {  	s17 =	simm.s32 $0x4;
	s18 =	simm.s32 $0xC;
	s19 =	simm.s32 $0x6  }
0x8: {  	s21 =	simm.s32 $0x0;
	s10 =	sand.u32 $0x1, s3;
	s5 =	sshll.u32 s1, $0x1  }
0x9: {  	s3 =	simm.s32 $0x0;
	s24 =	sshll.u32 s1, $0xF;
	s13 =	sshll.u32 s1, $0x12  }
0xa: {  	s5 =	sor.u32 s10, s5;
	s6 =	ssub.s32 $0x2, s10;
	[smem:$0x7FF] =	sst s3  }
0xb: {  	s7 =	sadd.s32 s24, s7;
	s26 =	sadd.s32 s13, s4;
	s28 =	sshll.u32 s10, $0x11  }
0xc: {  	s10 =	simm.s32 $0x13000;
	s13 =	simm.s32 $0x3;
	s8 =	sshll.u32 s5, $0xB  }
0xd: {  	s9 =	sshrl.u32 s6, $0x1;
	_ =	strace $0x80000047;
	s11 =	sshll.u32 s5, $0x11  }
0xe: {  	s5 =	sadd.s32 $0x100, s2;
	s14 =	sadd.s32 $0x2000, s7;
	s15 =	sadd.s32 s28, s26  }
0xf: {  	s26 =	simm.s32 $0x10000;
	s0 =	sadd.s32 s8, s0;
	s12 =	ssub.s32 s6, s9  }
0x10: {  	s6 =	sadd.s32 $0x200, s2;
	s8 =	sadd.s32 $0x300, s2;
	s9 =	sadd.s32 $0x4000, s7  }
.Ltmp0:
0x11: {  	s25 =	sadd.s32 s11, s4;
	s0 =	sadd.s32 $0x400, s0;
	(pc) =	sbr.rel .LBB2_1-.Ltmp0, $4  }
0x12: {  	s4 =	simm.s32 $0x12800;
	s11 =	sadd.s32 $0x1F800, s25;
	[dreg:$0x5] =	wrdreg s0  }
0x13: {  	v0 =	vlaneseq.u32;
	s29 =	smax.u32 s12, $0x1;
	s12 =	simm.s32 $0x13800;
	[dreg:$0x6] =	wrdreg s11  }
0x14: {  	v1 =	vshrl.u32 v0, $0x3;
	s11 =	sadd.s32 $0x6000, s7;
	s0 =	sadd.s32 $0x1FC00, s25;
	[dreg:$0x8] =	wrdreg s29  }
0x15: {  	vm0 =	vmmov $0xffff;
	v0 =	vand.u32 $0x7, v0;
	v1 =	vmul.u32 $0x8, v1;
	s25 =	simm.s32 $0x1;
	[dreg:$0x7] =	wrdreg s0;
	s0 =	simm.s32 $0x12000  }
.LBB2_8:
0x16: {  	s20 =	simm.s32 $0x7  }
0x17: {  	_ =	swait.ge [sflag:s20], $0x2000  }
0x18: {  	s29 =	sor.u32 $0x1C0B, s22;
	[sflag:s20] =	ssyncset.done $0x0  }
0x19: {  	s21 =	sshrl.u32 s9, $0x3;
	s23 =	rddreg [dreg:$0x6];
	[sflag:s20] =	ssyncadd.s32 $0xFFFFE000  }
0x1a: {  	[hbm:s23], [sflag:s29] =	dma.local [spmem:s21], $0x400  }
0x1b: {  	s23 =	simm.s32 $0x8  }
0x1c: {  	_ =	swait.ge [sflag:s23], $0x2000  }
0x1d: {  	s24 =	sor.u32 $0x1C0C, s22;
	s28 =	sshrl.u32 s11, $0x3;
	[sflag:s23] =	ssyncset.done $0x0  }
0x1e: {  	s22 =	simm.s32 $0x9;
	s29 =	rddreg [dreg:$0x7];
	[sflag:s23] =	ssyncadd.s32 $0xFFFFE000  }
0x1f: {  	[hbm:s29], [sflag:s24] =	dma.local [spmem:s28], $0x400  }
0x20: {  	_ =	swait.ge [sflag:s22], $0x400  }
0x21: {  	[sflag:s22] =	ssyncset.done $0x0  }
0x22: {  	s23 =	simm.s32 $0xA;
	[sflag:s22] =	ssyncadd.s32 $0xFFFFFC00  }
0x23: {  	_ =	swait.ge [sflag:s23], $0x400  }
0x24: {  	[sflag:s23] =	ssyncset.done $0x0  }
0x25: {  	s24 =	simm.s32 $0xB;
	[sflag:s23] =	ssyncadd.s32 $0xFFFFFC00  }
0x26: {  	_ =	swait.ge [sflag:s24], $0x400  }
0x27: {  	[sflag:s24] =	ssyncset.done $0x0  }
0x28: {  	[sflag:s24] =	ssyncadd.s32 $0xFFFFFC00  }
0x29: {  	_ =	swait.ge [sflag:s18], $0x400  }
0x2a: {  	s28 =	rddreg [dreg:$0x9]  }
0x2b: {  	s29 =	rddreg [dreg:$0x8];
	s21 =	sadd.s32 $0x1, s28  }
0x2c: {  	p0 =	sne.s32 s21, s29  }
.Ltmp1:
0x2d: {  	_ = 	snop;
	(pc) =	sbr.rel @!p0 .LBB2_9-.Ltmp1, $3  }
0x2e: {  	_ =	sdelay $0x1  }
0x2f: {  	[sflag:s18] =	ssyncset.done $0x0  }
0x30: {  	[sflag:s18] =	ssyncadd.s32 $0xFFFFFC00  }
.LBB2_1:
0x31: {  	[dreg:$0x9] =	wrdreg s21  }
0x32: {  	s20 =	rddreg [dreg:$0x5];
	s24 =	simm.s32 $0xD  }
0x33: {  	[tilespmem:s3], [sflag:$0xD] =	stream.linear.gather [hbm4b:s20+s3], $0x4000, $0x38;
	[tilespmem:$0x14000] =	vst v63  }
0x34: {  	_ =	swait.ge [sflag:s24], $0x4000  }
0x35: {  	[sflag:s24] =	ssyncset.done $0x0  }
0x36: {  	[sflag:s24] =	ssyncadd.s32 $0xFFFFC000  }
0x37: {  	v2 =	vld.msk [tilespmem:$0x0], $0xff;
	_ =	sdelay $0x4  }
0x38: {  	v3 =	vshll.u32 v2, $0x3  }
0x39: {  	v2 =	vand.u32 $0x7, v2;
	v3 =	vand.u32 $0xFFFFFFC0, v3  }
0x3a: {  	v2 =	vor.u32 v2, v3  }
0x3b: {  	v2 =	vperm.xlane v2, v0;
	_ =	sdelay $0x1  }
0x3c: {  	v2 =	vadd.s32 v1, v2;
	_ =	sdelay $0x3  }
0x3d: {  	s28 =	simm.s32 $0xC000  }
0x3e: {  	[tilespmem:s28], [sflag:$0x1] =	stream.indirect_vreg.gather [hbm4b:s2+s3], $0x80, v2, vm0, $0xb8;
	[tilespmem:$0x14000] =	vst v63  }
0x3f: {  	s29 =	simm.s32 $0xC800  }
0x40: {  	[tilespmem:s29], [sflag:$0x1] =	stream.indirect_vreg.gather [hbm4b:s5+s3], $0x80, v2, vm0, $0xb8;
	[tilespmem:$0x14000] =	vst v63  }
0x41: {  	s21 =	simm.s32 $0xD000  }
0x42: {  	[tilespmem:s21], [sflag:$0x1] =	stream.indirect_vreg.gather [hbm4b:s6+s3], $0x80, v2, vm0, $0xb8;
	[tilespmem:$0x14000] =	vst v63  }
0x43: {  	s22 =	simm.s32 $0xD800  }
0x44: {  	[tilespmem:s22], [sflag:$0x1] =	stream.indirect_vreg.gather [hbm4b:s8+s3], $0x80, v2, vm0, $0xb8;
	[tilespmem:$0x14000] =	vst v63  }
0x45: {  	v2 =	vld.msk [tilespmem:$0x80], $0xff;
	_ =	sdelay $0x4  }
0x46: {  	v3 =	vshll.u32 v2, $0x3  }
0x47: {  	v2 =	vand.u32 $0x7, v2;
	v3 =	vand.u32 $0xFFFFFFC0, v3  }
0x48: {  	v2 =	vor.u32 v2, v3  }
0x49: {  	v2 =	vperm.xlane v2, v0;
	_ =	sdelay $0x1  }
0x4a: {  	v2 =	vadd.s32 v1, v2;
	_ =	sdelay $0x3  }
0x4b: {  	s23 =	simm.s32 $0xE000  }
0x4c: {  	[tilespmem:s23], [sflag:$0x2] =	stream.indirect_vreg.gather [hbm4b:s2+s3], $0x80, v2, vm0, $0xb8;
	[tilespmem:$0x14000] =	vst v63  }
0x4d: {  	s24 =	simm.s32 $0xE800  }
0x4e: {  	[tilespmem:s24], [sflag:$0x2] =	stream.indirect_vreg.gather [hbm4b:s5+s3], $0x80, v2, vm0, $0xb8;
	[tilespmem:$0x14000] =	vst v63  }
0x4f: {  	s28 =	simm.s32 $0xF000  }
0x50: {  	[tilespmem:s28], [sflag:$0x2] =	stream.indirect_vreg.gather [hbm4b:s6+s3], $0x80, v2, vm0, $0xb8;
	[tilespmem:$0x14000] =	vst v63  }
0x51: {  	s20 =	simm.s32 $0x180;
	s29 =	simm.s32 $0xF800;
	s21 =	simm.s32 $0x0  }
0x52: {  	[tilespmem:s29], [sflag:$0x2] =	stream.indirect_vreg.gather [hbm4b:s8+s3], $0x80, v2, vm0, $0xb8;
	[tilespmem:$0x14000] =	vst v63  }
.LBB2_2:
0x53: {  	_ =	swait.ge [sflag:s25], $0x2000  }
0x54: {  	p0 =	sne.s32 s21, $0x0;
	[sflag:s25] =	ssyncset.done $0x0  }
0x55: {  	s22 =	simm.s32 @p0 $0x9;
	[sflag:s25] =	ssyncadd.s32 $0xFFFFE000  }
0x56: {  	_ =	swait.ge @p0 [sflag:s22], $0x400  }
0x57: {  	[sflag:s22] =	ssyncset.done @p0 $0x0  }
0x58: {  	[sflag:s22] =	ssyncadd.s32 @p0 $0xFFFFFC00;
	s22 =	simm.s32 @p0 $0xC000  }
0x59: {  	[spmem:s7] =	stream.linear.scatter @p0 [tilespmem:s22], [sflag:$0x5], $0x2000, $0x38;
	[tilespmem:$0x14000] =	vst v63  }
0x5a: {  	s22 =	simm.s32 @p0 $0x7  }
0x5b: {  	_ =	swait.ge @p0 [sflag:s22], $0x2000  }
0x5c: {  	[sflag:s22] =	ssyncset.done @p0 $0x0  }
0x5d: {  	s23 =	sshll.u32 @p0 s1, $0x6;
	[sflag:s22] =	ssyncadd.s32 @p0 $0xFFFFE000;
	s22 =	sadd.s32 @p0 s21, s15  }
0x5e: {  	s29 =	sshrl.u32 @p0 s9, $0x3;
	s28 =	sor.u32 @p0 $0x1C0B, s23;
	s24 =	sadd.s32 @p0 $0xFFFFF800, s22  }
0x5f: {  	[hbm:s24], [sflag:s28] =	dma.local @p0 [spmem:s29], $0x400  }
0x60: {  	s24 =	simm.s32 @!p0 $0xC000  }
0x61: {  	[spmem:s7] =	stream.linear.scatter @!p0 [tilespmem:s24], [sflag:$0x5], $0x2000, $0x38;
	[tilespmem:$0x14000] =	vst v63  }
0x62: {  	v2 =	vld.msk [tilespmem:s20+$0xFFFFFF80], $0xff;
	_ =	sdelay $0x4  }
0x63: {  	v3 =	vshll.u32 v2, $0x3  }
0x64: {  	v2 =	vand.u32 $0x7, v2;
	v3 =	vand.u32 $0xFFFFFFC0, v3  }
0x65: {  	v2 =	vor.u32 v2, v3  }
0x66: {  	v2 =	vperm.xlane v2, v0;
	_ =	sdelay $0x1  }
0x67: {  	v2 =	vadd.s32 v1, v2;
	_ =	sdelay $0x4  }
0x68: {  	[tilespmem:s26], [sflag:$0x3] =	stream.indirect_vreg.gather [hbm4b:s2+s3], $0x80, v2, vm0, $0xb8;
	[tilespmem:$0x14000] =	vst v63  }
0x69: {  	s29 =	simm.s32 $0x10800  }
0x6a: {  	[tilespmem:s29], [sflag:$0x3] =	stream.indirect_vreg.gather [hbm4b:s5+s3], $0x80, v2, vm0, $0xb8;
	[tilespmem:$0x14000] =	vst v63  }
0x6b: {  	s28 =	simm.s32 $0x11000  }
0x6c: {  	[tilespmem:s28], [sflag:$0x3] =	stream.indirect_vreg.gather [hbm4b:s6+s3], $0x80, v2, vm0, $0xb8;
	[tilespmem:$0x14000] =	vst v63  }
0x6d: {  	_ = 	snop  }
0x6e: {  	[tilespmem:s30], [sflag:$0x3] =	stream.indirect_vreg.gather [hbm4b:s8+s3], $0x80, v2, vm0, $0xb8;
	[tilespmem:$0x14000] =	vst v63  }
0x6f: {  	_ =	swait.ge [sflag:s31], $0x2000  }
0x70: {  	[sflag:s31] =	ssyncset.done $0x0  }
0x71: {  	s24 =	simm.s32 @p0 $0xA;
	[sflag:s31] =	ssyncadd.s32 $0xFFFFE000  }
0x72: {  	_ =	swait.ge @p0 [sflag:s24], $0x400  }
0x73: {  	[sflag:s24] =	ssyncset.done @p0 $0x0  }
0x74: {  	[sflag:s24] =	ssyncadd.s32 @p0 $0xFFFFFC00;
	s24 =	simm.s32 @p0 $0xE000  }
0x75: {  	[spmem:s14] =	stream.linear.scatter @p0 [tilespmem:s24], [sflag:$0x6], $0x2000, $0x38;
	[tilespmem:$0x14000] =	vst v63  }
0x76: {  	s24 =	simm.s32 @p0 $0x8  }
0x77: {  	_ =	swait.ge @p0 [sflag:s24], $0x2000  }
0x78: {  	s23 =	sor.u32 @p0 $0x1C0C, s23;
	[sflag:s24] =	ssyncset.done @p0 $0x0  }
0x79: {  	s22 =	sadd.s32 @p0 $0xFFFFFC00, s22;
	[sflag:s24] =	ssyncadd.s32 @p0 $0xFFFFE000;
	s24 =	sshrl.u32 @p0 s11, $0x3  }
0x7a: {  	[hbm:s22], [sflag:s23] =	dma.local @p0 [spmem:s24], $0x400  }
0x7b: {  	s22 =	simm.s32 @!p0 $0xE000  }
0x7c: {  	[spmem:s14] =	stream.linear.scatter @!p0 [tilespmem:s22], [sflag:$0x6], $0x2000, $0x38;
	[tilespmem:$0x14000] =	vst v63  }
0x7d: {  	v2 =	vld.msk [tilespmem:s20+$0x0], $0xff;
	_ =	sdelay $0x4  }
0x7e: {  	v3 =	vshll.u32 v2, $0x3  }
0x7f: {  	v2 =	vand.u32 $0x7, v2;
	v3 =	vand.u32 $0xFFFFFFC0, v3  }
0x80: {  	v2 =	vor.u32 v2, v3  }
0x81: {  	v2 =	vperm.xlane v2, v0;
	_ =	sdelay $0x1  }
0x82: {  	v2 =	vadd.s32 v1, v2;
	_ =	sdelay $0x4  }
0x83: {  	[tilespmem:s0], [sflag:$0x4] =	stream.indirect_vreg.gather [hbm4b:s2+s3], $0x80, v2, vm0, $0xb8;
	[tilespmem:$0x14000] =	vst v63  }
0x84: {  	_ = 	snop  }
0x85: {  	[tilespmem:s4], [sflag:$0x4] =	stream.indirect_vreg.gather [hbm4b:s5+s3], $0x80, v2, vm0, $0xb8;
	[tilespmem:$0x14000] =	vst v63  }
0x86: {  	_ = 	snop  }
0x87: {  	[tilespmem:s10], [sflag:$0x4] =	stream.indirect_vreg.gather [hbm4b:s6+s3], $0x80, v2, vm0, $0xb8;
	[tilespmem:$0x14000] =	vst v63  }
0x88: {  	_ = 	snop  }
0x89: {  	[tilespmem:s12], [sflag:$0x4] =	stream.indirect_vreg.gather [hbm4b:s8+s3], $0x80, v2, vm0, $0xb8;
	[tilespmem:$0x14000] =	vst v63  }
0x8a: {  	_ =	swait.ge [sflag:s13], $0x2000  }
0x8b: {  	p0 =	seq.s32 s21, $0x0;
	[sflag:s13] =	ssyncset.done $0x0  }
0x8c: {  	s22 =	simm.s32 @!p0 $0xB;
	[sflag:s13] =	ssyncadd.s32 $0xFFFFE000  }
0x8d: {  	_ =	swait.ge @!p0 [sflag:s22], $0x400  }
0x8e: {  	[sflag:s22] =	ssyncset.done @!p0 $0x0  }
0x8f: {  	p1 =	sne.s32 s21, $0x1F000;
	[sflag:s22] =	ssyncadd.s32 @!p0 $0xFFFFFC00  }
0x90: {  	[spmem:s9] =	stream.linear.scatter [tilespmem:s26], [sflag:$0x7], $0x2000, $0x38;
	[tilespmem:$0x14000] =	vst v63  }
.Ltmp2:
0x91: {  	_ = 	snop;
	(pc) =	sbr.rel @p1 .LBB2_4-.Ltmp2, $4  }
0x92: {  	_ =	swait.ge [sflag:s16], $0x2000  }
0x93: {  	s29 =	sshrl.u32 s7, $0x3;
	s22 =	sshll.u32 s1, $0x6;
	[sflag:s16] =	ssyncset.done $0x0  }
0x94: {  	s23 =	sadd.s32 s21, s15;
	s24 =	sor.u32 $0x1C09, s22;
	[sflag:s16] =	ssyncadd.s32 $0xFFFFE000  }
0x95: {  	[hbm:s23], [sflag:s24] =	dma.local [spmem:s29], $0x400  }
.Ltmp3:
0x96: {  	(pc) =	sbr.rel .LBB2_5-.Ltmp3, $4  }
0x97: {  	_ = 	snop  }
0x98: {  	_ =	swait.ge [sflag:s17], $0x2000  }
0x99: {  	[sflag:s17] =	ssyncset.done $0x0  }
0x9a: {  	[sflag:s17] =	ssyncadd.s32 $0xFFFFE000  }
.LBB2_4:
0x9b: {  	v2 =	vld.msk [tilespmem:s20+$0x80], $0xff;
	_ =	sdelay $0x4  }
0x9c: {  	v3 =	vshll.u32 v2, $0x3  }
0x9d: {  	v2 =	vand.u32 $0x7, v2;
	v3 =	vand.u32 $0xFFFFFFC0, v3  }
0x9e: {  	v2 =	vor.u32 v2, v3  }
0x9f: {  	v2 =	vperm.xlane v2, v0;
	_ =	sdelay $0x1  }
0xa0: {  	v2 =	vadd.s32 v1, v2;
	_ =	sdelay $0x3  }
0xa1: {  	s24 =	simm.s32 $0xC000  }
0xa2: {  	[tilespmem:s24], [sflag:$0x1] =	stream.indirect_vreg.gather [hbm4b:s2+s3], $0x80, v2, vm0, $0xb8;
	[tilespmem:$0x14000] =	vst v63  }
0xa3: {  	s29 =	simm.s32 $0xC800  }
0xa4: {  	[tilespmem:s29], [sflag:$0x1] =	stream.indirect_vreg.gather [hbm4b:s5+s3], $0x80, v2, vm0, $0xb8;
	[tilespmem:$0x14000] =	vst v63  }
0xa5: {  	s28 =	simm.s32 $0xD000  }
0xa6: {  	[tilespmem:s28], [sflag:$0x1] =	stream.indirect_vreg.gather [hbm4b:s6+s3], $0x80, v2, vm0, $0xb8;
	[tilespmem:$0x14000] =	vst v63  }
.Ltmp4:
0xa7: {  	s29 =	simm.s32 $0xD800;
	(pc) =	sbr.rel @p0 .LBB2_6-.Ltmp4, $4  }
0xa8: {  	[tilespmem:s29], [sflag:$0x1] =	stream.indirect_vreg.gather [hbm4b:s8+s3], $0x80, v2, vm0, $0xb8;
	[tilespmem:$0x14000] =	vst v63  }
0xa9: {  	_ =	swait.ge [sflag:s17], $0x2000  }
0xaa: {  	[sflag:s17] =	ssyncset.done $0x0  }
0xab: {  	[sflag:s17] =	ssyncadd.s32 $0xFFFFE000  }
.LBB2_5:
0xac: {  	_ =	swait.ge [sflag:s18], $0x400  }
0xad: {  	[sflag:s18] =	ssyncset.done $0x0  }
0xae: {  	[sflag:s18] =	ssyncadd.s32 $0xFFFFFC00  }
.LBB2_6:
0xaf: {  	[spmem:s11] =	stream.linear.scatter [tilespmem:s0], [sflag:$0x8], $0x2000, $0x38;
	[tilespmem:$0x14000] =	vst v63  }
0xb0: {  	p0 =	seq.s32 s21, $0x1F000  }
.Ltmp5:
0xb1: {  	_ = 	snop;
	(pc) =	sbr.rel @p0 .LBB2_8-.Ltmp5, $4  }
0xb2: {  	_ =	swait.ge [sflag:s19], $0x2000  }
0xb3: {  	s23 =	sadd.s32 $0x400, s23;
	[sflag:s19] =	ssyncset.done $0x0  }
0xb4: {  	s24 =	sor.u32 $0x1C0A, s22;
	s28 =	sshrl.u32 s14, $0x3;
	[sflag:s19] =	ssyncadd.s32 $0xFFFFE000  }
0xb5: {  	[hbm:s23], [sflag:s24] =	dma.local [spmem:s28], $0x400  }
0xb6: {  	v2 =	vld.msk [tilespmem:s20+$0x100], $0xff;
	_ =	sdelay $0x4  }
0xb7: {  	v3 =	vshll.u32 v2, $0x3  }
0xb8: {  	v2 =	vand.u32 $0x7, v2;
	v3 =	vand.u32 $0xFFFFFFC0, v3  }
0xb9: {  	v2 =	vor.u32 v2, v3  }
0xba: {  	v2 =	vperm.xlane v2, v0;
	_ =	sdelay $0x1  }
0xbb: {  	v2 =	vadd.s32 v1, v2;
	_ =	sdelay $0x3  }
0xbc: {  	s22 =	simm.s32 $0xE000  }
0xbd: {  	[tilespmem:s22], [sflag:$0x2] =	stream.indirect_vreg.gather [hbm4b:s2+s3], $0x80, v2, vm0, $0xb8;
	[tilespmem:$0x14000] =	vst v63  }
0xbe: {  	s24 =	simm.s32 $0xE800  }
0xbf: {  	[tilespmem:s24], [sflag:$0x2] =	stream.indirect_vreg.gather [hbm4b:s5+s3], $0x80, v2, vm0, $0xb8;
	[tilespmem:$0x14000] =	vst v63  }
.Ltmp6:
0xc0: {  	_ = 	snop;
	(pc) =	sbr.rel .LBB2_2-.Ltmp6, $4  }
0xc1: {  	s28 =	simm.s32 $0xF000  }
0xc2: {  	[tilespmem:s28], [sflag:$0x2] =	stream.indirect_vreg.gather [hbm4b:s6+s3], $0x80, v2, vm0, $0xb8;
	[tilespmem:$0x14000] =	vst v63  }
0xc3: {  	s29 =	simm.s32 $0xF800;
	s21 =	sadd.s32 $0x1000, s21;
	s20 =	sadd.s32 $0x200, s20  }
0xc4: {  	[tilespmem:s29], [sflag:$0x2] =	stream.indirect_vreg.gather [hbm4b:s8+s3], $0x80, v2, vm0, $0xb8;
	[tilespmem:$0x14000] =	vst v63  }
.LBB2_9:
0xc5: {  	_ =	sfence.sel $0x180000  }
0xc6: {  	[bflag:$0x0] =	sbarrier.arrive $0xFFFF  }
0xc7: {  	_ =	strace $0x90000047  }
0xc8: {  	[bflag:$0x2] =	sbarrier.arrive $0xFFFF  }
0xc9: {  	p0 =	sne.s32 s1, $0x0;
	s0 =	rddreg [dreg:$0x4]  }
0xca: {  	s0 =	sadd.s32 @!p0 $0x100000, s0  }
0xcb: {  	[sflag:s0] =	ssyncadd.tile.s32 @!p0 $0x1;
	_ =	shalt  }
.Lfunc_end2:
_tile_overlayer_lowered:
.L_overlay_start_2:
0xcc: {  	(tag) =	ssettag $0x2  }
0xcd: {  	s0 =	rddreg [dreg:$0x0];
	s2 =	stileid.u32  }
0xce: {  	s1 =	rddreg [dreg:$0x1];
	p0 =	sne.s32 s2, $0x0  }
0xcf: {  	s3 =	rddreg [dreg:$0x2];
	[bflag:$0x3] =	sbarrier.arrive $0xFFFF;
	s2 =	simm.s32 @!p0 $0x1C0D  }
0xd0: {  	[timem:s3], [sflag:s2] =	dma.local @!p0 [hbm:s0], s1  }
0xd1: {  	s0 =	simm.s32 @!p0 $0xD  }
0xd2: {  	_ =	swait.ge @!p0 [sflag:s0], s1  }
0xd3: {  	s1 =	ssub.s32 @!p0 $0x0, s1;
	[sflag:s0] =	ssyncset.done @!p0 $0x0  }
0xd4: {  	[sflag:s0] =	ssyncadd.s32 @!p0 s1  }
0xd5: {  	[bflag:$0x3] =	sbarrier.arrive $0xFFFF  }
0xd6: {  	_ =	shalt  }

</sc_bundles>
